<compile_context>
chip_gen: v7x
topology: tpu7x:2x2x1
jax: 0.10.2.dev20260603
libtpu: 0.0.44.dev20260713+nightly
codegen_flags: <defaults>
</compile_context>

<pallas_src>
import functools

import jax
import jax.numpy as jnp
from jax import lax
from jax.experimental import pallas as pl
from jax.experimental.pallas import tpu as pltpu
from jax.experimental.pallas import tpu_sc as plsc

N = 10000
E = 320000
NCH = 2560
E_PAD = NCH * 128
CPS1 = NCH // 16
CPS2 = NCH // 32
_mesh = plsc.VectorSubcoreMesh(core_axis_name="c", subcore_axis_name="s")


def _copy_tile_rows(src_ref, src_base, dst_ref, dst_base, sid):
    rb = sid * 632

    @pl.when(sid < 15)
    def _():
        pltpu.sync_copy(src_ref.at[pl.ds(src_base + rb, 632)],
                        dst_ref.at[pl.ds(dst_base + rb, 632)])

    @pl.when(sid == 15)
    def _():
        pltpu.sync_copy(src_ref.at[pl.ds(src_base + 9480, 520)],
                        dst_ref.at[pl.ds(dst_base + 9480, 520)])


HN = 10112
VPT = E_PAD // 32


@functools.partial(
    pl.kernel,
    out_type=jax.ShapeDtypeStruct((32, HN), jnp.float32),
    mesh=_mesh,
    scratch_types=[
        pltpu.VMEM((VPT,), jnp.int32),
        pltpu.VMEM((HN,), jnp.float32),
    ],
    compiler_params=pltpu.CompilerParams(needs_layout_passes=False),
)
def _deg_hist(dst_hbm, out_hbm, dstb, hist):
    cid = lax.axis_index("c")
    sid = lax.axis_index("s")
    tid = cid * 16 + sid
    pltpu.sync_copy(dst_hbm.at[pl.ds(tid * VPT, VPT)], dstb)
    zeros = jnp.zeros((16,), jnp.float32)

    def zbody(i, carry):
        hist[pl.ds(i * 16, 16)] = zeros
        return carry

    lax.fori_loop(0, HN // 16, zbody, 0)
    ones = jnp.ones((16,), jnp.float32)

    def body(i, carry):
        idx = dstb[pl.ds(i * 16, 16)]
        plsc.addupdate_scatter(hist, (idx,), ones)
        return carry

    lax.fori_loop(0, VPT // 16, body, 0)
    pltpu.sync_copy(hist, out_hbm.at[tid])


def _edge_sweep(g_hbm, srcb, dstb, rows0, rows1, acc, sem0, sem1, nch):
    pltpu.async_copy(g_hbm.at[srcb.at[0]], rows0, sem0)

    def body(jj, carry):
        j = 2 * jj
        pltpu.async_copy(g_hbm.at[srcb.at[j + 1]], rows1, sem1)
        pltpu.make_async_copy(g_hbm.at[srcb.at[j]], rows0, sem0).wait()
        pltpu.sync_copy(rows0, acc.at[dstb.at[j]], add=True)

        @pl.when(jj + 1 < nch // 2)
        def _():
            pltpu.async_copy(g_hbm.at[srcb.at[j + 2]], rows0, sem0)

        pltpu.make_async_copy(g_hbm.at[srcb.at[j + 1]], rows1, sem1).wait()
        pltpu.sync_copy(rows1, acc.at[dstb.at[j + 1]], add=True)
        return carry

    lax.fori_loop(0, nch // 2, body, 0)


@functools.partial(
    pl.kernel,
    out_type=jax.ShapeDtypeStruct((4 * N, 64), jnp.float32),
    mesh=_mesh,
    scratch_types=[
        pltpu.VMEM((CPS1, 128), jnp.int32),
        pltpu.VMEM((CPS1, 128), jnp.int32),
        pltpu.VMEM((128, 64), jnp.float32),
        pltpu.VMEM((128, 64), jnp.float32),
        pltpu.VMEM_SHARED((N + 8, 64), jnp.float32),
        pltpu.SemaphoreType.DMA,
        pltpu.SemaphoreType.DMA,
    ],
    compiler_params=pltpu.CompilerParams(use_tc_tiling_on_sc=False),
)
def _agg1(g_hbm, src_hbm, dst_hbm, out_hbm,
          srcb, dstb, rows0, rows1, acc, sem0, sem1):
    cid = lax.axis_index("c")
    sid = lax.axis_index("s")
    cb = sid * CPS1
    pltpu.sync_copy(dst_hbm.at[pl.ds(cb, CPS1)], dstb)
    for p in range(2):
        blk = 2 * cid + p
        pltpu.sync_copy(src_hbm.at[blk, pl.ds(cb, CPS1)], srcb)
        _copy_tile_rows(g_hbm, blk * N, acc, 0, sid)
        plsc.subcore_barrier()
        _edge_sweep(g_hbm, srcb, dstb, rows0, rows1, acc, sem0, sem1, CPS1)
        plsc.subcore_barrier()
        _copy_tile_rows(acc, 0, out_hbm, blk * N, sid)
        plsc.subcore_barrier()


@functools.partial(
    pl.kernel,
    out_type=jax.ShapeDtypeStruct((2 * N, 64), jnp.float32),
    mesh=_mesh,
    scratch_types=[
        pltpu.VMEM((CPS2, 128), jnp.int32),
        pltpu.VMEM((CPS2, 128), jnp.int32),
        pltpu.VMEM((128, 64), jnp.float32),
        pltpu.VMEM((128, 64), jnp.float32),
        pltpu.VMEM_SHARED((N + 8, 64), jnp.float32),
        pltpu.SemaphoreType.DMA,
        pltpu.SemaphoreType.DMA,
    ],
    compiler_params=pltpu.CompilerParams(use_tc_tiling_on_sc=False),
)
def _agg2(g_hbm, src_hbm, dst_hbm, out_hbm,
          srcb, dstb, rows0, rows1, acc, sem0, sem1):
    cid = lax.axis_index("c")
    sid = lax.axis_index("s")
    cb = (cid * 16 + sid) * CPS2
    pltpu.sync_copy(src_hbm.at[pl.ds(cb, CPS2)], srcb)
    pltpu.sync_copy(dst_hbm.at[pl.ds(cb, CPS2)], dstb)
    _copy_tile_rows(g_hbm, 0, acc, 0, sid)
    plsc.subcore_barrier()
    _edge_sweep(g_hbm, srcb, dstb, rows0, rows1, acc, sem0, sem1, CPS2)
    plsc.subcore_barrier()
    _copy_tile_rows(acc, 0, out_hbm, cid * N, sid)


_BM = 2000


def _mm1_body(x_ref, w_ref, dis_ref, o_ref):
    o_ref[...] = jnp.dot(x_ref[...], w_ref[0],
                         preferred_element_type=jnp.float32) * dis_ref[...]


def _mm1(x, w, dis):
    return pl.pallas_call(
        _mm1_body,
        grid=(4, N // _BM),
        in_specs=[
            pl.BlockSpec((_BM, 128), lambda f, i: (i, 0)),
            pl.BlockSpec((1, 128, 64), lambda f, i: (f, 0, 0)),
            pl.BlockSpec((_BM, 1), lambda f, i: (i, 0)),
        ],
        out_specs=pl.BlockSpec((_BM, 64), lambda f, i: (f * (N // _BM) + i, 0)),
        out_shape=jax.ShapeDtypeStruct((4 * N, 64), jnp.float32),
    )(x, w, dis)


def _mm2_body(a0_ref, a1_ref, a2_ref, a3_ref, dis_ref, b1_ref, w2_ref, o_ref):
    dis = dis_ref[...]
    acc = None
    for f, a_ref in enumerate((a0_ref, a1_ref, a2_ref, a3_ref)):
        xf = jnp.maximum(a_ref[...] * dis + b1_ref[f:f + 1, :], 0.0)
        d = jnp.dot(xf, w2_ref[64 * f:64 * (f + 1), :],
                    preferred_element_type=jnp.float32)
        acc = d if acc is None else acc + d
    o_ref[...] = acc * dis


def _mm2(out1, dis, b1r, w2):
    return pl.pallas_call(
        _mm2_body,
        grid=(N // _BM,),
        in_specs=[
            pl.BlockSpec((_BM, 64), lambda i, f=f: (f * (N // _BM) + i, 0))
            for f in range(4)
        ] + [
            pl.BlockSpec((_BM, 1), lambda i: (i, 0)),
            pl.BlockSpec((4, 64), lambda i: (0, 0)),
            pl.BlockSpec((256, 64), lambda i: (0, 0)),
        ],
        out_specs=pl.BlockSpec((_BM, 64), lambda i: (i, 0)),
        out_shape=jax.ShapeDtypeStruct((N, 64), jnp.float32),
    )(out1, out1, out1, out1, dis, b1r, w2)


def _final_body(p0_ref, p1_ref, g2_ref, dis_ref, b2_ref, o_ref):
    z = dis_ref[...] * (p0_ref[...] + p1_ref[...] - g2_ref[...]) + b2_ref[...]
    m = jnp.max(z, axis=1, keepdims=True)
    e = jnp.exp(z - m)
    s = jnp.sum(e, axis=1, keepdims=True)
    o_ref[...] = z - m - jnp.log(s)


def _final(p, g2, dis, b2r):
    return pl.pallas_call(
        _final_body,
        grid=(N // _BM,),
        in_specs=[
            pl.BlockSpec((_BM, 64), lambda i: (i, 0)),
            pl.BlockSpec((_BM, 64), lambda i: (N // _BM + i, 0)),
            pl.BlockSpec((_BM, 64), lambda i: (i, 0)),
            pl.BlockSpec((_BM, 1), lambda i: (i, 0)),
            pl.BlockSpec((1, 64), lambda i: (0, 0)),
        ],
        out_specs=pl.BlockSpec((_BM, 64), lambda i: (i, 0)),
        out_shape=jax.ShapeDtypeStruct((N, 64), jnp.float32),
    )(p, p, g2, dis, b2r)


def kernel(x, edge_index, W1, b1, W2, b2):
    src = edge_index[0]
    dst = edge_index[1]
    pad = E_PAD - E
    src_p = jnp.concatenate([src, jnp.zeros((pad,), jnp.int32)])
    dst_p = jnp.concatenate([dst, jnp.full((pad,), N, jnp.int32)])
    src0 = src_p.reshape(NCH, 128)
    src1 = jnp.stack([src0, src0 + N, src0 + 2 * N, src0 + 3 * N])
    dstc = dst_p.reshape(NCH, 128)
    hists = _deg_hist(dst_p)
    deg = 1.0 + jnp.sum(hists, axis=0)[:N]
    dis = jax.lax.rsqrt(deg)[:, None]

    W1r = W1.reshape(128, 4, 64).transpose(1, 0, 2)
    g1 = _mm1(x, W1r, dis)
    out1 = _agg1(g1, src1, dstc)
    g2 = _mm2(out1, dis, b1.reshape(4, 64), W2)
    p = _agg2(g2, src0, dstc)
    return _final(p, g2, dis, b2.reshape(1, 64))

# --- scband reference (transcript-rebuilt; emitter-appended) ---
"""Pipeline reference for scband-gcn-30322469109833 (READ-ONLY COPY).

The authoritative reference and input builder live on the scoring server;
editing this copy changes nothing except your own understanding.
"""

import jax, jax.numpy as jnp
import numpy as np

N, E, F_IN, H, A = 10000, 320000, 128, 256, 64


def gcn_conv(x, edge_index, W, b):
    n = x.shape[0]
    src = edge_index[0]
    dst = edge_index[1]
    # add self loops (PyG GCNConv default add_self_loops=True)
    loop = jnp.arange(n, dtype=edge_index.dtype)
    src = jnp.concatenate([src, loop])
    dst = jnp.concatenate([dst, loop])
    # linear transform first (in_ch >= out_ch ordering is irrelevant for math)
    h = x @ W
    # symmetric normalization deg^{-1/2} A_hat deg^{-1/2}
    deg = jnp.zeros((n,), dtype=h.dtype).at[dst].add(1.0)
    deg_inv_sqrt = jnp.where(deg > 0, jax.lax.rsqrt(deg), 0.0)
    norm = deg_inv_sqrt[src] * deg_inv_sqrt[dst]
    msg = h[src] * norm[:, None]
    out = jax.ops.segment_sum(msg, dst, num_segments=n)
    return out + b


def setup_inputs(seed: int = 0) -> dict:
    key = jax.random.key(seed)
    k1, k2, k3, k4, k5, k6 = jax.random.split(key, 6)
    x = jax.random.normal(k1, (N, F_IN), dtype=jnp.float32)
    # int32 used in jax code to avoid requiring x64 mode; values in [0, N)
    edge_index = jax.random.randint(k2, (2, E), 0, N, dtype=jnp.int32)
    W1 = jax.random.normal(k3, (F_IN, H), dtype=jnp.float32) * (1.0 / np.sqrt(F_IN))
    b1 = jnp.zeros((H,), dtype=jnp.float32)
    W2 = jax.random.normal(k4, (H, A), dtype=jnp.float32) * (1.0 / np.sqrt(H))
    b2 = jnp.zeros((A,), dtype=jnp.float32)
    return {"x": x, "edge_index": edge_index, "W1": W1, "b1": b1, "W2": W2, "b2": b2}


def reference(x, edge_index, W1, b1, W2, b2):
    h = gcn_conv(x, edge_index, W1, b1)
    h = jax.nn.relu(h)
    # dropout is identity in eval mode (training=False)
    h = gcn_conv(h, edge_index, W2, b2)
    return jax.nn.log_softmax(h, axis=1)

if __name__ == "__main__":
    import jax
    _d = setup_inputs()
    print(jax.jit(kernel)(*tuple(_d.values())))

</pallas_src>

<mosaic_0001>
#map = affine_map<(d0, d1) -> (0, 0)>
#map1 = affine_map<(d0, d1) -> (0, 0, 0)>
module attributes {stable_mosaic.version = 14 : i64} {
  func.func @_agg1(%arg0: i32, %arg1: i32, %arg2: memref<40000x64xf32, #tpu.memory_space<hbm>>, %arg3: memref<4x2560x128xi32, #tpu.memory_space<hbm>>, %arg4: memref<2560x128xi32, #tpu.memory_space<hbm>>, %arg5: memref<40000x64xf32, #tpu.memory_space<hbm>>, %arg6: memref<160x128xi32, #tpu.memory_space<vmem>>, %arg7: memref<160x128xi32, #tpu.memory_space<vmem>>, %arg8: memref<128x64xf32, #tpu.memory_space<vmem>>, %arg9: memref<128x64xf32, #tpu.memory_space<vmem>>, %arg10: memref<10008x64xf32, #tpu.memory_space<vmem_shared>>, %arg11: memref<!tpu.dma_semaphore, #tpu.memory_space<semaphore_mem>>, %arg12: memref<!tpu.dma_semaphore, #tpu.memory_space<semaphore_mem>>) attributes {dimension_semantics = [#tpu.dimension_semantics<core_parallel>, #tpu.dimension_semantics<subcore_parallel>], iteration_bounds = array<i64: 2, 16>, scalar_prefetch = 0 : i64, scratch_operands = 7 : i64, tpu.core_type = #tpu.core_type<sc_vector_subcore>, window_params = [{transform_indices = #map}, {transform_indices = #map1}, {transform_indices = #map}, {transform_indices = #map}]} {
    %mul3A = arith.constant 160 : i32
    %mul3A_0 = arith.muli %arg1, %mul3A : i32
    "tpu.region"() ({
      %run_scoped3A = tpu.sem_alloc : memref<!tpu.dma_semaphore, #tpu.memory_space<semaphore_mem>>
      %dma_start3A_89 = arith.constant 0 : i32
      %dma_start3A_90 = tpu.memref_slice %arg4[%mul3A_0, %dma_start3A_89] : memref<2560x128xi32, #tpu.memory_space<hbm>> -> memref<160x128xi32, #tpu.memory_space<hbm>>
      %dma_start3A_91 = arith.constant 0 : i32
      %dma_start3A_92 = tpu.memref_slice %arg4[%mul3A_0, %dma_start3A_91] : memref<2560x128xi32, #tpu.memory_space<hbm>> -> memref<160x128xi32, #tpu.memory_space<hbm>>
      tpu.enqueue_dma source(%dma_start3A_92 : memref<160x128xi32, #tpu.memory_space<hbm>>) target(%arg7 : memref<160x128xi32, #tpu.memory_space<vmem>>) target_semaphore(%run_scoped3A : memref<!tpu.dma_semaphore, #tpu.memory_space<semaphore_mem>>)
      %dma_wait3A = arith.constant 0 : i32
      %dma_wait3A_93 = tpu.memref_slice %arg4[%mul3A_0, %dma_wait3A] : memref<2560x128xi32, #tpu.memory_space<hbm>> -> memref<160x128xi32, #tpu.memory_space<hbm>>
      %dma_wait3A_94 = arith.constant 0 : i32
      %dma_wait3A_95 = tpu.memref_slice %arg4[%mul3A_0, %dma_wait3A_94] : memref<2560x128xi32, #tpu.memory_space<hbm>> -> memref<160x128xi32, #tpu.memory_space<hbm>>
      tpu.wait_dma2 semaphore(%run_scoped3A : memref<!tpu.dma_semaphore, #tpu.memory_space<semaphore_mem>>) src(%dma_wait3A_95 : memref<160x128xi32, #tpu.memory_space<hbm>>) dst(%arg7 : memref<160x128xi32, #tpu.memory_space<vmem>>)
      tpu.yield
    }) : () -> ()
    %mul3A_1 = arith.constant 2 : i32
    %mul3A_2 = arith.muli %mul3A_1, %arg0 : i32
    %add3A = arith.constant 0 : i32
    %add3A_3 = arith.addi %mul3A_2, %add3A : i32
    "tpu.region"() ({
      %run_scoped3A = tpu.sem_alloc : memref<!tpu.dma_semaphore, #tpu.memory_space<semaphore_mem>>
      %dma_start3A_89 = arith.constant 0 : i32
      %dma_start3A_90 = tpu.memref_slice %arg3[%add3A_3, %mul3A_0, %dma_start3A_89] : memref<4x2560x128xi32, #tpu.memory_space<hbm>> -> memref<1x160x128xi32, #tpu.memory_space<hbm>>
      %dma_start3A_91 = tpu.memref_squeeze %dma_start3A_90 : memref<1x160x128xi32, #tpu.memory_space<hbm>> -> memref<160x128xi32, #tpu.memory_space<hbm>>
      %dma_start3A_92 = arith.constant 0 : i32
      %dma_start3A_93 = tpu.memref_slice %arg3[%add3A_3, %mul3A_0, %dma_start3A_92] : memref<4x2560x128xi32, #tpu.memory_space<hbm>> -> memref<1x160x128xi32, #tpu.memory_space<hbm>>
      %dma_start3A_94 = tpu.memref_squeeze %dma_start3A_93 : memref<1x160x128xi32, #tpu.memory_space<hbm>> -> memref<160x128xi32, #tpu.memory_space<hbm>>
      tpu.enqueue_dma source(%dma_start3A_94 : memref<160x128xi32, #tpu.memory_space<hbm>>) target(%arg6 : memref<160x128xi32, #tpu.memory_space<vmem>>) target_semaphore(%run_scoped3A : memref<!tpu.dma_semaphore, #tpu.memory_space<semaphore_mem>>)
      %dma_wait3A = arith.constant 0 : i32
      %dma_wait3A_95 = tpu.memref_slice %arg3[%add3A_3, %mul3A_0, %dma_wait3A] : memref<4x2560x128xi32, #tpu.memory_space<hbm>> -> memref<1x160x128xi32, #tpu.memory_space<hbm>>
      %dma_wait3A_96 = tpu.memref_squeeze %dma_wait3A_95 : memref<1x160x128xi32, #tpu.memory_space<hbm>> -> memref<160x128xi32, #tpu.memory_space<hbm>>
      %dma_wait3A_97 = arith.constant 0 : i32
      %dma_wait3A_98 = tpu.memref_slice %arg3[%add3A_3, %mul3A_0, %dma_wait3A_97] : memref<4x2560x128xi32, #tpu.memory_space<hbm>> -> memref<1x160x128xi32, #tpu.memory_space<hbm>>
      %dma_wait3A_99 = tpu.memref_squeeze %dma_wait3A_98 : memref<1x160x128xi32, #tpu.memory_space<hbm>> -> memref<160x128xi32, #tpu.memory_space<hbm>>
      tpu.wait_dma2 semaphore(%run_scoped3A : memref<!tpu.dma_semaphore, #tpu.memory_space<semaphore_mem>>) src(%dma_wait3A_99 : memref<160x128xi32, #tpu.memory_space<hbm>>) dst(%arg6 : memref<160x128xi32, #tpu.memory_space<vmem>>)
      tpu.yield
    }) : () -> ()
    %mul3A_4 = arith.constant 10000 : i32
    %mul3A_5 = arith.muli %add3A_3, %mul3A_4 : i32
    %mul3A_6 = arith.constant 632 : i32
    %mul3A_7 = arith.muli %arg1, %mul3A_6 : i32
    %lt3A = arith.constant 15 : i32
    %lt3A_8 = arith.cmpi slt, %arg1, %lt3A : i32
    %convert_element_type3A = arith.extui %lt3A_8 : i1 to i32
    %cond3A = arith.constant 0 : i32
    %cond3A_9 = arith.cmpi ne, %convert_element_type3A, %cond3A : i32
    scf.if %cond3A_9 {
      %add3A_89 = arith.addi %mul3A_5, %mul3A_7 : i32
      %add3A_90 = arith.constant 0 : i32
      %add3A_91 = arith.addi %add3A_90, %mul3A_7 : i32
      "tpu.region"() ({
        %run_scoped3A = tpu.sem_alloc : memref<!tpu.dma_semaphore, #tpu.memory_space<semaphore_mem>>
        %dma_start3A_92 = arith.constant 0 : i32
        %dma_start3A_93 = tpu.memref_slice %arg10[%add3A_91, %dma_start3A_92] : memref<10008x64xf32, #tpu.memory_space<vmem_shared>> -> memref<632x64xf32, #tpu.memory_space<vmem_shared>>
        %dma_start3A_94 = arith.constant 0 : i32
        %dma_start3A_95 = tpu.memref_slice %arg2[%add3A_89, %dma_start3A_94] : memref<40000x64xf32, #tpu.memory_space<hbm>> -> memref<632x64xf32, #tpu.memory_space<hbm>>
        tpu.enqueue_dma source(%dma_start3A_95 : memref<632x64xf32, #tpu.memory_space<hbm>>) target(%dma_start3A_93 : memref<632x64xf32, #tpu.memory_space<vmem_shared>>) target_semaphore(%run_scoped3A : memref<!tpu.dma_semaphore, #tpu.memory_space<semaphore_mem>>)
        %dma_wait3A = arith.constant 0 : i32
        %dma_wait3A_96 = tpu.memref_slice %arg10[%add3A_91, %dma_wait3A] : memref<10008x64xf32, #tpu.memory_space<vmem_shared>> -> memref<632x64xf32, #tpu.memory_space<vmem_shared>>
        %dma_wait3A_97 = arith.constant 0 : i32
        %dma_wait3A_98 = tpu.memref_slice %arg2[%add3A_89, %dma_wait3A_97] : memref<40000x64xf32, #tpu.memory_space<hbm>> -> memref<632x64xf32, #tpu.memory_space<hbm>>
        tpu.wait_dma2 semaphore(%run_scoped3A : memref<!tpu.dma_semaphore, #tpu.memory_space<semaphore_mem>>) src(%dma_wait3A_98 : memref<632x64xf32, #tpu.memory_space<hbm>>) dst(%dma_wait3A_96 : memref<632x64xf32, #tpu.memory_space<vmem_shared>>)
        tpu.yield
      }) : () -> ()
    } else {
    }
    %eq3A = arith.constant 15 : i32
    %eq3A_10 = arith.cmpi eq, %arg1, %eq3A : i32
    %convert_element_type3A_11 = arith.extui %eq3A_10 : i1 to i32
    %cond3A_12 = arith.constant 0 : i32
    %cond3A_13 = arith.cmpi ne, %convert_element_type3A_11, %cond3A_12 : i32
    scf.if %cond3A_13 {
      %add3A_89 = arith.constant 9480 : i32
      %add3A_90 = arith.addi %mul3A_5, %add3A_89 : i32
      "tpu.region"() ({
        %run_scoped3A = tpu.sem_alloc : memref<!tpu.dma_semaphore, #tpu.memory_space<semaphore_mem>>
        %dma_start3A_91 = arith.constant 9480 : i32
        %dma_start3A_92 = arith.constant 0 : i32
        %dma_start3A_93 = tpu.memref_slice %arg10[%dma_start3A_91, %dma_start3A_92] : memref<10008x64xf32, #tpu.memory_space<vmem_shared>> -> memref<520x64xf32, #tpu.memory_space<vmem_shared>>
        %dma_start3A_94 = arith.constant 0 : i32
        %dma_start3A_95 = tpu.memref_slice %arg2[%add3A_90, %dma_start3A_94] : memref<40000x64xf32, #tpu.memory_space<hbm>> -> memref<520x64xf32, #tpu.memory_space<hbm>>
        tpu.enqueue_dma source(%dma_start3A_95 : memref<520x64xf32, #tpu.memory_space<hbm>>) target(%dma_start3A_93 : memref<520x64xf32, #tpu.memory_space<vmem_shared>>) target_semaphore(%run_scoped3A : memref<!tpu.dma_semaphore, #tpu.memory_space<semaphore_mem>>)
        %dma_wait3A = arith.constant 9480 : i32
        %dma_wait3A_96 = arith.constant 0 : i32
        %dma_wait3A_97 = tpu.memref_slice %arg10[%dma_wait3A, %dma_wait3A_96] : memref<10008x64xf32, #tpu.memory_space<vmem_shared>> -> memref<520x64xf32, #tpu.memory_space<vmem_shared>>
        %dma_wait3A_98 = arith.constant 0 : i32
        %dma_wait3A_99 = tpu.memref_slice %arg2[%add3A_90, %dma_wait3A_98] : memref<40000x64xf32, #tpu.memory_space<hbm>> -> memref<520x64xf32, #tpu.memory_space<hbm>>
        tpu.wait_dma2 semaphore(%run_scoped3A : memref<!tpu.dma_semaphore, #tpu.memory_space<semaphore_mem>>) src(%dma_wait3A_99 : memref<520x64xf32, #tpu.memory_space<hbm>>) dst(%dma_wait3A_97 : memref<520x64xf32, #tpu.memory_space<vmem_shared>>)
        tpu.yield
      }) : () -> ()
    } else {
    }
    %barrier3A = arith.constant 0 : index
    tpu.barrier barrier_id(%barrier3A)
    %dma_start3A = arith.constant 0 : i32
    %dma_start3A_14 = arith.constant 0 : i32
    %dma_start3A_15 = tpu.memref_slice %arg6[%dma_start3A, %dma_start3A_14] : memref<160x128xi32, #tpu.memory_space<vmem>> -> memref<1x128xi32, #tpu.memory_space<vmem>>
    %dma_start3A_16 = tpu.memref_squeeze %dma_start3A_15 : memref<1x128xi32, #tpu.memory_space<vmem>> -> memref<128xi32, #tpu.memory_space<vmem>>
    %dma_start3A_17 = arith.constant 0 : i32
    %dma_start3A_18 = arith.constant 0 : i32
    %dma_start3A_19 = tpu.memref_slice %arg2[%dma_start3A_17, %dma_start3A_18] : memref<40000x64xf32, #tpu.memory_space<hbm>> -> memref<40000x64xf32, #tpu.memory_space<hbm>>
    tpu.enqueue_indirect_dma source(%dma_start3A_19 : memref<40000x64xf32, #tpu.memory_space<hbm>>) target(%arg8 : memref<128x64xf32, #tpu.memory_space<vmem>>) offsets(%dma_start3A_16 : memref<128xi32, #tpu.memory_space<vmem>>) semaphore(%arg11 : memref<!tpu.dma_semaphore, #tpu.memory_space<semaphore_mem>>)
    %scan3A = arith.constant 0 : i32
    %scan3A_20 = arith.constant 0 : i32
    %scan3A_21 = arith.constant 80 : i32
    %scan3A_22 = arith.addi %scan3A_20, %scan3A_21 : i32
    %scan3A_23 = arith.constant 1 : i32
    scf.for %scan3A_89 = %scan3A_20 to %scan3A_22 step %scan3A_23  : i32 {
      %mul3A_90 = arith.constant 2 : i32
      %mul3A_91 = arith.muli %mul3A_90, %scan3A_89 : i32
      %add3A_92 = arith.constant 1 : i32
      %add3A_93 = arith.addi %mul3A_91, %add3A_92 : i32
      %dma_start3A_94 = arith.constant 0 : i32
      %dma_start3A_95 = tpu.memref_slice %arg6[%add3A_93, %dma_start3A_94] : memref<160x128xi32, #tpu.memory_space<vmem>> -> memref<1x128xi32, #tpu.memory_space<vmem>>
      %dma_start3A_96 = tpu.memref_squeeze %dma_start3A_95 : memref<1x128xi32, #tpu.memory_space<vmem>> -> memref<128xi32, #tpu.memory_space<vmem>>
      %dma_start3A_97 = arith.constant 0 : i32
      %dma_start3A_98 = arith.constant 0 : i32
      %dma_start3A_99 = tpu.memref_slice %arg2[%dma_start3A_97, %dma_start3A_98] : memref<40000x64xf32, #tpu.memory_space<hbm>> -> memref<40000x64xf32, #tpu.memory_space<hbm>>
      tpu.enqueue_indirect_dma source(%dma_start3A_99 : memref<40000x64xf32, #tpu.memory_space<hbm>>) target(%arg9 : memref<128x64xf32, #tpu.memory_space<vmem>>) offsets(%dma_start3A_96 : memref<128xi32, #tpu.memory_space<vmem>>) semaphore(%arg12 : memref<!tpu.dma_semaphore, #tpu.memory_space<semaphore_mem>>)
      %dma_wait3A = arith.constant 0 : i32
      %dma_wait3A_100 = tpu.memref_slice %arg6[%mul3A_91, %dma_wait3A] : memref<160x128xi32, #tpu.memory_space<vmem>> -> memref<1x128xi32, #tpu.memory_space<vmem>>
      %dma_wait3A_101 = tpu.memref_squeeze %dma_wait3A_100 : memref<1x128xi32, #tpu.memory_space<vmem>> -> memref<128xi32, #tpu.memory_space<vmem>>
      %dma_wait3A_102 = arith.constant 0 : i32
      %dma_wait3A_103 = arith.constant 0 : i32
      %dma_wait3A_104 = tpu.memref_slice %arg2[%dma_wait3A_102, %dma_wait3A_103] : memref<40000x64xf32, #tpu.memory_space<hbm>> -> memref<40000x64xf32, #tpu.memory_space<hbm>>
      tpu.wait_indirect_dma semaphore(%arg11 : memref<!tpu.dma_semaphore, #tpu.memory_space<semaphore_mem>>) src(%dma_wait3A_104 : memref<40000x64xf32, #tpu.memory_space<hbm>>) dst(%arg8 : memref<128x64xf32, #tpu.memory_space<vmem>>)
      "tpu.region"() ({
        %run_scoped3A = tpu.sem_alloc : memref<!tpu.dma_semaphore, #tpu.memory_space<semaphore_mem>>
        %dma_start3A_122 = arith.constant 0 : i32
        %dma_start3A_123 = tpu.memref_slice %arg7[%mul3A_91, %dma_start3A_122] : memref<160x128xi32, #tpu.memory_space<vmem>> -> memref<1x128xi32, #tpu.memory_space<vmem>>
        %dma_start3A_124 = tpu.memref_squeeze %dma_start3A_123 : memref<1x128xi32, #tpu.memory_space<vmem>> -> memref<128xi32, #tpu.memory_space<vmem>>
        %dma_start3A_125 = arith.constant 0 : i32
        %dma_start3A_126 = arith.constant 0 : i32
        %dma_start3A_127 = tpu.memref_slice %arg10[%dma_start3A_125, %dma_start3A_126] : memref<10008x64xf32, #tpu.memory_space<vmem_shared>> -> memref<10008x64xf32, #tpu.memory_space<vmem_shared>>
        tpu.enqueue_indirect_dma source(%arg8 : memref<128x64xf32, #tpu.memory_space<vmem>>) target(%dma_start3A_127 : memref<10008x64xf32, #tpu.memory_space<vmem_shared>>) offsets(%dma_start3A_124 : memref<128xi32, #tpu.memory_space<vmem>>) semaphore(%run_scoped3A : memref<!tpu.dma_semaphore, #tpu.memory_space<semaphore_mem>>) {add = true}
        %dma_wait3A_128 = arith.constant 0 : i32
        %dma_wait3A_129 = tpu.memref_slice %arg7[%mul3A_91, %dma_wait3A_128] : memref<160x128xi32, #tpu.memory_space<vmem>> -> memref<1x128xi32, #tpu.memory_space<vmem>>
        %dma_wait3A_130 = tpu.memref_squeeze %dma_wait3A_129 : memref<1x128xi32, #tpu.memory_space<vmem>> -> memref<128xi32, #tpu.memory_space<vmem>>
        %dma_wait3A_131 = arith.constant 0 : i32
        %dma_wait3A_132 = arith.constant 0 : i32
        %dma_wait3A_133 = tpu.memref_slice %arg10[%dma_wait3A_131, %dma_wait3A_132] : memref<10008x64xf32, #tpu.memory_space<vmem_shared>> -> memref<10008x64xf32, #tpu.memory_space<vmem_shared>>
        tpu.wait_indirect_dma semaphore(%run_scoped3A : memref<!tpu.dma_semaphore, #tpu.memory_space<semaphore_mem>>) src(%arg8 : memref<128x64xf32, #tpu.memory_space<vmem>>) dst(%dma_wait3A_133 : memref<10008x64xf32, #tpu.memory_space<vmem_shared>>)
        tpu.yield
      }) : () -> ()
      %add3A_105 = arith.constant 1 : i32
      %add3A_106 = arith.addi %scan3A_89, %add3A_105 : i32
      %lt3A_107 = arith.constant 80 : i32
      %lt3A_108 = arith.cmpi slt, %add3A_106, %lt3A_107 : i32
      %convert_element_type3A_109 = arith.extui %lt3A_108 : i1 to i32
      %cond3A_110 = arith.constant 0 : i32
      %cond3A_111 = arith.cmpi ne, %convert_element_type3A_109, %cond3A_110 : i32
      scf.if %cond3A_111 {
        %add3A_122 = arith.constant 2 : i32
        %add3A_123 = arith.addi %mul3A_91, %add3A_122 : i32
        %dma_start3A_124 = arith.constant 0 : i32
        %dma_start3A_125 = tpu.memref_slice %arg6[%add3A_123, %dma_start3A_124] : memref<160x128xi32, #tpu.memory_space<vmem>> -> memref<1x128xi32, #tpu.memory_space<vmem>>
        %dma_start3A_126 = tpu.memref_squeeze %dma_start3A_125 : memref<1x128xi32, #tpu.memory_space<vmem>> -> memref<128xi32, #tpu.memory_space<vmem>>
        %dma_start3A_127 = arith.constant 0 : i32
        %dma_start3A_128 = arith.constant 0 : i32
        %dma_start3A_129 = tpu.memref_slice %arg2[%dma_start3A_127, %dma_start3A_128] : memref<40000x64xf32, #tpu.memory_space<hbm>> -> memref<40000x64xf32, #tpu.memory_space<hbm>>
        tpu.enqueue_indirect_dma source(%dma_start3A_129 : memref<40000x64xf32, #tpu.memory_space<hbm>>) target(%arg8 : memref<128x64xf32, #tpu.memory_space<vmem>>) offsets(%dma_start3A_126 : memref<128xi32, #tpu.memory_space<vmem>>) semaphore(%arg11 : memref<!tpu.dma_semaphore, #tpu.memory_space<semaphore_mem>>)
      } else {
      }
      %add3A_112 = arith.constant 1 : i32
      %add3A_113 = arith.addi %mul3A_91, %add3A_112 : i32
      %dma_wait3A_114 = arith.constant 0 : i32
      %dma_wait3A_115 = tpu.memref_slice %arg6[%add3A_113, %dma_wait3A_114] : memref<160x128xi32, #tpu.memory_space<vmem>> -> memref<1x128xi32, #tpu.memory_space<vmem>>
      %dma_wait3A_116 = tpu.memref_squeeze %dma_wait3A_115 : memref<1x128xi32, #tpu.memory_space<vmem>> -> memref<128xi32, #tpu.memory_space<vmem>>
      %dma_wait3A_117 = arith.constant 0 : i32
      %dma_wait3A_118 = arith.constant 0 : i32
      %dma_wait3A_119 = tpu.memref_slice %arg2[%dma_wait3A_117, %dma_wait3A_118] : memref<40000x64xf32, #tpu.memory_space<hbm>> -> memref<40000x64xf32, #tpu.memory_space<hbm>>
      tpu.wait_indirect_dma semaphore(%arg12 : memref<!tpu.dma_semaphore, #tpu.memory_space<semaphore_mem>>) src(%dma_wait3A_119 : memref<40000x64xf32, #tpu.memory_space<hbm>>) dst(%arg9 : memref<128x64xf32, #tpu.memory_space<vmem>>)
      %add3A_120 = arith.constant 1 : i32
      %add3A_121 = arith.addi %mul3A_91, %add3A_120 : i32
      "tpu.region"() ({
        %run_scoped3A = tpu.sem_alloc : memref<!tpu.dma_semaphore, #tpu.memory_space<semaphore_mem>>
        %dma_start3A_122 = arith.constant 0 : i32
        %dma_start3A_123 = tpu.memref_slice %arg7[%add3A_121, %dma_start3A_122] : memref<160x128xi32, #tpu.memory_space<vmem>> -> memref<1x128xi32, #tpu.memory_space<vmem>>
        %dma_start3A_124 = tpu.memref_squeeze %dma_start3A_123 : memref<1x128xi32, #tpu.memory_space<vmem>> -> memref<128xi32, #tpu.memory_space<vmem>>
        %dma_start3A_125 = arith.constant 0 : i32
        %dma_start3A_126 = arith.constant 0 : i32
        %dma_start3A_127 = tpu.memref_slice %arg10[%dma_start3A_125, %dma_start3A_126] : memref<10008x64xf32, #tpu.memory_space<vmem_shared>> -> memref<10008x64xf32, #tpu.memory_space<vmem_shared>>
        tpu.enqueue_indirect_dma source(%arg9 : memref<128x64xf32, #tpu.memory_space<vmem>>) target(%dma_start3A_127 : memref<10008x64xf32, #tpu.memory_space<vmem_shared>>) offsets(%dma_start3A_124 : memref<128xi32, #tpu.memory_space<vmem>>) semaphore(%run_scoped3A : memref<!tpu.dma_semaphore, #tpu.memory_space<semaphore_mem>>) {add = true}
        %dma_wait3A_128 = arith.constant 0 : i32
        %dma_wait3A_129 = tpu.memref_slice %arg7[%add3A_121, %dma_wait3A_128] : memref<160x128xi32, #tpu.memory_space<vmem>> -> memref<1x128xi32, #tpu.memory_space<vmem>>
        %dma_wait3A_130 = tpu.memref_squeeze %dma_wait3A_129 : memref<1x128xi32, #tpu.memory_space<vmem>> -> memref<128xi32, #tpu.memory_space<vmem>>
        %dma_wait3A_131 = arith.constant 0 : i32
        %dma_wait3A_132 = arith.constant 0 : i32
        %dma_wait3A_133 = tpu.memref_slice %arg10[%dma_wait3A_131, %dma_wait3A_132] : memref<10008x64xf32, #tpu.memory_space<vmem_shared>> -> memref<10008x64xf32, #tpu.memory_space<vmem_shared>>
        tpu.wait_indirect_dma semaphore(%run_scoped3A : memref<!tpu.dma_semaphore, #tpu.memory_space<semaphore_mem>>) src(%arg9 : memref<128x64xf32, #tpu.memory_space<vmem>>) dst(%dma_wait3A_133 : memref<10008x64xf32, #tpu.memory_space<vmem_shared>>)
        tpu.yield
      }) : () -> ()
    }
    %scan3A_24 = arith.constant 80 : i32
    %barrier3A_25 = arith.constant 0 : index
    tpu.barrier barrier_id(%barrier3A_25)
    %mul3A_26 = arith.constant 10000 : i32
    %mul3A_27 = arith.muli %add3A_3, %mul3A_26 : i32
    %mul3A_28 = arith.constant 632 : i32
    %mul3A_29 = arith.muli %arg1, %mul3A_28 : i32
    %lt3A_30 = arith.constant 15 : i32
    %lt3A_31 = arith.cmpi slt, %arg1, %lt3A_30 : i32
    %convert_element_type3A_32 = arith.extui %lt3A_31 : i1 to i32
    %cond3A_33 = arith.constant 0 : i32
    %cond3A_34 = arith.cmpi ne, %convert_element_type3A_32, %cond3A_33 : i32
    scf.if %cond3A_34 {
      %add3A_89 = arith.constant 0 : i32
      %add3A_90 = arith.addi %add3A_89, %mul3A_29 : i32
      %add3A_91 = arith.addi %mul3A_27, %mul3A_29 : i32
      "tpu.region"() ({
        %run_scoped3A = tpu.sem_alloc : memref<!tpu.dma_semaphore, #tpu.memory_space<semaphore_mem>>
        %dma_start3A_92 = arith.constant 0 : i32
        %dma_start3A_93 = tpu.memref_slice %arg5[%add3A_91, %dma_start3A_92] : memref<40000x64xf32, #tpu.memory_space<hbm>> -> memref<632x64xf32, #tpu.memory_space<hbm>>
        %dma_start3A_94 = arith.constant 0 : i32
        %dma_start3A_95 = tpu.memref_slice %arg10[%add3A_90, %dma_start3A_94] : memref<10008x64xf32, #tpu.memory_space<vmem_shared>> -> memref<632x64xf32, #tpu.memory_space<vmem_shared>>
        tpu.enqueue_dma source(%dma_start3A_95 : memref<632x64xf32, #tpu.memory_space<vmem_shared>>) target(%dma_start3A_93 : memref<632x64xf32, #tpu.memory_space<hbm>>) target_semaphore(%run_scoped3A : memref<!tpu.dma_semaphore, #tpu.memory_space<semaphore_mem>>)
        %dma_wait3A = arith.constant 0 : i32
        %dma_wait3A_96 = tpu.memref_slice %arg5[%add3A_91, %dma_wait3A] : memref<40000x64xf32, #tpu.memory_space<hbm>> -> memref<632x64xf32, #tpu.memory_space<hbm>>
        %dma_wait3A_97 = arith.constant 0 : i32
        %dma_wait3A_98 = tpu.memref_slice %arg10[%add3A_90, %dma_wait3A_97] : memref<10008x64xf32, #tpu.memory_space<vmem_shared>> -> memref<632x64xf32, #tpu.memory_space<vmem_shared>>
        tpu.wait_dma2 semaphore(%run_scoped3A : memref<!tpu.dma_semaphore, #tpu.memory_space<semaphore_mem>>) src(%dma_wait3A_98 : memref<632x64xf32, #tpu.memory_space<vmem_shared>>) dst(%dma_wait3A_96 : memref<632x64xf32, #tpu.memory_space<hbm>>)
        tpu.yield
      }) : () -> ()
    } else {
    }
    %eq3A_35 = arith.constant 15 : i32
    %eq3A_36 = arith.cmpi eq, %arg1, %eq3A_35 : i32
    %convert_element_type3A_37 = arith.extui %eq3A_36 : i1 to i32
    %cond3A_38 = arith.constant 0 : i32
    %cond3A_39 = arith.cmpi ne, %convert_element_type3A_37, %cond3A_38 : i32
    scf.if %cond3A_39 {
      %add3A_89 = arith.constant 9480 : i32
      %add3A_90 = arith.addi %mul3A_27, %add3A_89 : i32
      "tpu.region"() ({
        %run_scoped3A = tpu.sem_alloc : memref<!tpu.dma_semaphore, #tpu.memory_space<semaphore_mem>>
        %dma_start3A_91 = arith.constant 0 : i32
        %dma_start3A_92 = tpu.memref_slice %arg5[%add3A_90, %dma_start3A_91] : memref<40000x64xf32, #tpu.memory_space<hbm>> -> memref<520x64xf32, #tpu.memory_space<hbm>>
        %dma_start3A_93 = arith.constant 9480 : i32
        %dma_start3A_94 = arith.constant 0 : i32
        %dma_start3A_95 = tpu.memref_slice %arg10[%dma_start3A_93, %dma_start3A_94] : memref<10008x64xf32, #tpu.memory_space<vmem_shared>> -> memref<520x64xf32, #tpu.memory_space<vmem_shared>>
        tpu.enqueue_dma source(%dma_start3A_95 : memref<520x64xf32, #tpu.memory_space<vmem_shared>>) target(%dma_start3A_92 : memref<520x64xf32, #tpu.memory_space<hbm>>) target_semaphore(%run_scoped3A : memref<!tpu.dma_semaphore, #tpu.memory_space<semaphore_mem>>)
        %dma_wait3A = arith.constant 0 : i32
        %dma_wait3A_96 = tpu.memref_slice %arg5[%add3A_90, %dma_wait3A] : memref<40000x64xf32, #tpu.memory_space<hbm>> -> memref<520x64xf32, #tpu.memory_space<hbm>>
        %dma_wait3A_97 = arith.constant 9480 : i32
        %dma_wait3A_98 = arith.constant 0 : i32
        %dma_wait3A_99 = tpu.memref_slice %arg10[%dma_wait3A_97, %dma_wait3A_98] : memref<10008x64xf32, #tpu.memory_space<vmem_shared>> -> memref<520x64xf32, #tpu.memory_space<vmem_shared>>
        tpu.wait_dma2 semaphore(%run_scoped3A : memref<!tpu.dma_semaphore, #tpu.memory_space<semaphore_mem>>) src(%dma_wait3A_99 : memref<520x64xf32, #tpu.memory_space<vmem_shared>>) dst(%dma_wait3A_96 : memref<520x64xf32, #tpu.memory_space<hbm>>)
        tpu.yield
      }) : () -> ()
    } else {
    }
    %barrier3A_40 = arith.constant 0 : index
    tpu.barrier barrier_id(%barrier3A_40)
    %mul3A_41 = arith.constant 2 : i32
    %mul3A_42 = arith.muli %mul3A_41, %arg0 : i32
    %add3A_43 = arith.constant 1 : i32
    %add3A_44 = arith.addi %mul3A_42, %add3A_43 : i32
    "tpu.region"() ({
      %run_scoped3A = tpu.sem_alloc : memref<!tpu.dma_semaphore, #tpu.memory_space<semaphore_mem>>
      %dma_start3A_89 = arith.constant 0 : i32
      %dma_start3A_90 = tpu.memref_slice %arg3[%add3A_44, %mul3A_0, %dma_start3A_89] : memref<4x2560x128xi32, #tpu.memory_space<hbm>> -> memref<1x160x128xi32, #tpu.memory_space<hbm>>
      %dma_start3A_91 = tpu.memref_squeeze %dma_start3A_90 : memref<1x160x128xi32, #tpu.memory_space<hbm>> -> memref<160x128xi32, #tpu.memory_space<hbm>>
      %dma_start3A_92 = arith.constant 0 : i32
      %dma_start3A_93 = tpu.memref_slice %arg3[%add3A_44, %mul3A_0, %dma_start3A_92] : memref<4x2560x128xi32, #tpu.memory_space<hbm>> -> memref<1x160x128xi32, #tpu.memory_space<hbm>>
      %dma_start3A_94 = tpu.memref_squeeze %dma_start3A_93 : memref<1x160x128xi32, #tpu.memory_space<hbm>> -> memref<160x128xi32, #tpu.memory_space<hbm>>
      tpu.enqueue_dma source(%dma_start3A_94 : memref<160x128xi32, #tpu.memory_space<hbm>>) target(%arg6 : memref<160x128xi32, #tpu.memory_space<vmem>>) target_semaphore(%run_scoped3A : memref<!tpu.dma_semaphore, #tpu.memory_space<semaphore_mem>>)
      %dma_wait3A = arith.constant 0 : i32
      %dma_wait3A_95 = tpu.memref_slice %arg3[%add3A_44, %mul3A_0, %dma_wait3A] : memref<4x2560x128xi32, #tpu.memory_space<hbm>> -> memref<1x160x128xi32, #tpu.memory_space<hbm>>
      %dma_wait3A_96 = tpu.memref_squeeze %dma_wait3A_95 : memref<1x160x128xi32, #tpu.memory_space<hbm>> -> memref<160x128xi32, #tpu.memory_space<hbm>>
      %dma_wait3A_97 = arith.constant 0 : i32
      %dma_wait3A_98 = tpu.memref_slice %arg3[%add3A_44, %mul3A_0, %dma_wait3A_97] : memref<4x2560x128xi32, #tpu.memory_space<hbm>> -> memref<1x160x128xi32, #tpu.memory_space<hbm>>
      %dma_wait3A_99 = tpu.memref_squeeze %dma_wait3A_98 : memref<1x160x128xi32, #tpu.memory_space<hbm>> -> memref<160x128xi32, #tpu.memory_space<hbm>>
      tpu.wait_dma2 semaphore(%run_scoped3A : memref<!tpu.dma_semaphore, #tpu.memory_space<semaphore_mem>>) src(%dma_wait3A_99 : memref<160x128xi32, #tpu.memory_space<hbm>>) dst(%arg6 : memref<160x128xi32, #tpu.memory_space<vmem>>)
      tpu.yield
    }) : () -> ()
    %mul3A_45 = arith.constant 10000 : i32
    %mul3A_46 = arith.muli %add3A_44, %mul3A_45 : i32
    %mul3A_47 = arith.constant 632 : i32
    %mul3A_48 = arith.muli %arg1, %mul3A_47 : i32
    %lt3A_49 = arith.constant 15 : i32
    %lt3A_50 = arith.cmpi slt, %arg1, %lt3A_49 : i32
    %convert_element_type3A_51 = arith.extui %lt3A_50 : i1 to i32
    %cond3A_52 = arith.constant 0 : i32
    %cond3A_53 = arith.cmpi ne, %convert_element_type3A_51, %cond3A_52 : i32
    scf.if %cond3A_53 {
      %add3A_89 = arith.addi %mul3A_46, %mul3A_48 : i32
      %add3A_90 = arith.constant 0 : i32
      %add3A_91 = arith.addi %add3A_90, %mul3A_48 : i32
      "tpu.region"() ({
        %run_scoped3A = tpu.sem_alloc : memref<!tpu.dma_semaphore, #tpu.memory_space<semaphore_mem>>
        %dma_start3A_92 = arith.constant 0 : i32
        %dma_start3A_93 = tpu.memref_slice %arg10[%add3A_91, %dma_start3A_92] : memref<10008x64xf32, #tpu.memory_space<vmem_shared>> -> memref<632x64xf32, #tpu.memory_space<vmem_shared>>
        %dma_start3A_94 = arith.constant 0 : i32
        %dma_start3A_95 = tpu.memref_slice %arg2[%add3A_89, %dma_start3A_94] : memref<40000x64xf32, #tpu.memory_space<hbm>> -> memref<632x64xf32, #tpu.memory_space<hbm>>
        tpu.enqueue_dma source(%dma_start3A_95 : memref<632x64xf32, #tpu.memory_space<hbm>>) target(%dma_start3A_93 : memref<632x64xf32, #tpu.memory_space<vmem_shared>>) target_semaphore(%run_scoped3A : memref<!tpu.dma_semaphore, #tpu.memory_space<semaphore_mem>>)
        %dma_wait3A = arith.constant 0 : i32
        %dma_wait3A_96 = tpu.memref_slice %arg10[%add3A_91, %dma_wait3A] : memref<10008x64xf32, #tpu.memory_space<vmem_shared>> -> memref<632x64xf32, #tpu.memory_space<vmem_shared>>
        %dma_wait3A_97 = arith.constant 0 : i32
        %dma_wait3A_98 = tpu.memref_slice %arg2[%add3A_89, %dma_wait3A_97] : memref<40000x64xf32, #tpu.memory_space<hbm>> -> memref<632x64xf32, #tpu.memory_space<hbm>>
        tpu.wait_dma2 semaphore(%run_scoped3A : memref<!tpu.dma_semaphore, #tpu.memory_space<semaphore_mem>>) src(%dma_wait3A_98 : memref<632x64xf32, #tpu.memory_space<hbm>>) dst(%dma_wait3A_96 : memref<632x64xf32, #tpu.memory_space<vmem_shared>>)
        tpu.yield
      }) : () -> ()
    } else {
    }
    %eq3A_54 = arith.constant 15 : i32
    %eq3A_55 = arith.cmpi eq, %arg1, %eq3A_54 : i32
    %convert_element_type3A_56 = arith.extui %eq3A_55 : i1 to i32
    %cond3A_57 = arith.constant 0 : i32
    %cond3A_58 = arith.cmpi ne, %convert_element_type3A_56, %cond3A_57 : i32
    scf.if %cond3A_58 {
      %add3A_89 = arith.constant 9480 : i32
      %add3A_90 = arith.addi %mul3A_46, %add3A_89 : i32
      "tpu.region"() ({
        %run_scoped3A = tpu.sem_alloc : memref<!tpu.dma_semaphore, #tpu.memory_space<semaphore_mem>>
        %dma_start3A_91 = arith.constant 9480 : i32
        %dma_start3A_92 = arith.constant 0 : i32
        %dma_start3A_93 = tpu.memref_slice %arg10[%dma_start3A_91, %dma_start3A_92] : memref<10008x64xf32, #tpu.memory_space<vmem_shared>> -> memref<520x64xf32, #tpu.memory_space<vmem_shared>>
        %dma_start3A_94 = arith.constant 0 : i32
        %dma_start3A_95 = tpu.memref_slice %arg2[%add3A_90, %dma_start3A_94] : memref<40000x64xf32, #tpu.memory_space<hbm>> -> memref<520x64xf32, #tpu.memory_space<hbm>>
        tpu.enqueue_dma source(%dma_start3A_95 : memref<520x64xf32, #tpu.memory_space<hbm>>) target(%dma_start3A_93 : memref<520x64xf32, #tpu.memory_space<vmem_shared>>) target_semaphore(%run_scoped3A : memref<!tpu.dma_semaphore, #tpu.memory_space<semaphore_mem>>)
        %dma_wait3A = arith.constant 9480 : i32
        %dma_wait3A_96 = arith.constant 0 : i32
        %dma_wait3A_97 = tpu.memref_slice %arg10[%dma_wait3A, %dma_wait3A_96] : memref<10008x64xf32, #tpu.memory_space<vmem_shared>> -> memref<520x64xf32, #tpu.memory_space<vmem_shared>>
        %dma_wait3A_98 = arith.constant 0 : i32
        %dma_wait3A_99 = tpu.memref_slice %arg2[%add3A_90, %dma_wait3A_98] : memref<40000x64xf32, #tpu.memory_space<hbm>> -> memref<520x64xf32, #tpu.memory_space<hbm>>
        tpu.wait_dma2 semaphore(%run_scoped3A : memref<!tpu.dma_semaphore, #tpu.memory_space<semaphore_mem>>) src(%dma_wait3A_99 : memref<520x64xf32, #tpu.memory_space<hbm>>) dst(%dma_wait3A_97 : memref<520x64xf32, #tpu.memory_space<vmem_shared>>)
        tpu.yield
      }) : () -> ()
    } else {
    }
    %barrier3A_59 = arith.constant 0 : index
    tpu.barrier barrier_id(%barrier3A_59)
    %dma_start3A_60 = arith.constant 0 : i32
    %dma_start3A_61 = arith.constant 0 : i32
    %dma_start3A_62 = tpu.memref_slice %arg6[%dma_start3A_60, %dma_start3A_61] : memref<160x128xi32, #tpu.memory_space<vmem>> -> memref<1x128xi32, #tpu.memory_space<vmem>>
    %dma_start3A_63 = tpu.memref_squeeze %dma_start3A_62 : memref<1x128xi32, #tpu.memory_space<vmem>> -> memref<128xi32, #tpu.memory_space<vmem>>
    %dma_start3A_64 = arith.constant 0 : i32
    %dma_start3A_65 = arith.constant 0 : i32
    %dma_start3A_66 = tpu.memref_slice %arg2[%dma_start3A_64, %dma_start3A_65] : memref<40000x64xf32, #tpu.memory_space<hbm>> -> memref<40000x64xf32, #tpu.memory_space<hbm>>
    tpu.enqueue_indirect_dma source(%dma_start3A_66 : memref<40000x64xf32, #tpu.memory_space<hbm>>) target(%arg8 : memref<128x64xf32, #tpu.memory_space<vmem>>) offsets(%dma_start3A_63 : memref<128xi32, #tpu.memory_space<vmem>>) semaphore(%arg11 : memref<!tpu.dma_semaphore, #tpu.memory_space<semaphore_mem>>)
    %scan3A_67 = arith.constant 0 : i32
    %scan3A_68 = arith.constant 0 : i32
    %scan3A_69 = arith.constant 80 : i32
    %scan3A_70 = arith.addi %scan3A_68, %scan3A_69 : i32
    %scan3A_71 = arith.constant 1 : i32
    scf.for %scan3A_89 = %scan3A_68 to %scan3A_70 step %scan3A_71  : i32 {
      %mul3A_90 = arith.constant 2 : i32
      %mul3A_91 = arith.muli %mul3A_90, %scan3A_89 : i32
      %add3A_92 = arith.constant 1 : i32
      %add3A_93 = arith.addi %mul3A_91, %add3A_92 : i32
      %dma_start3A_94 = arith.constant 0 : i32
      %dma_start3A_95 = tpu.memref_slice %arg6[%add3A_93, %dma_start3A_94] : memref<160x128xi32, #tpu.memory_space<vmem>> -> memref<1x128xi32, #tpu.memory_space<vmem>>
      %dma_start3A_96 = tpu.memref_squeeze %dma_start3A_95 : memref<1x128xi32, #tpu.memory_space<vmem>> -> memref<128xi32, #tpu.memory_space<vmem>>
      %dma_start3A_97 = arith.constant 0 : i32
      %dma_start3A_98 = arith.constant 0 : i32
      %dma_start3A_99 = tpu.memref_slice %arg2[%dma_start3A_97, %dma_start3A_98] : memref<40000x64xf32, #tpu.memory_space<hbm>> -> memref<40000x64xf32, #tpu.memory_space<hbm>>
      tpu.enqueue_indirect_dma source(%dma_start3A_99 : memref<40000x64xf32, #tpu.memory_space<hbm>>) target(%arg9 : memref<128x64xf32, #tpu.memory_space<vmem>>) offsets(%dma_start3A_96 : memref<128xi32, #tpu.memory_space<vmem>>) semaphore(%arg12 : memref<!tpu.dma_semaphore, #tpu.memory_space<semaphore_mem>>)
      %dma_wait3A = arith.constant 0 : i32
      %dma_wait3A_100 = tpu.memref_slice %arg6[%mul3A_91, %dma_wait3A] : memref<160x128xi32, #tpu.memory_space<vmem>> -> memref<1x128xi32, #tpu.memory_space<vmem>>
      %dma_wait3A_101 = tpu.memref_squeeze %dma_wait3A_100 : memref<1x128xi32, #tpu.memory_space<vmem>> -> memref<128xi32, #tpu.memory_space<vmem>>
      %dma_wait3A_102 = arith.constant 0 : i32
      %dma_wait3A_103 = arith.constant 0 : i32
      %dma_wait3A_104 = tpu.memref_slice %arg2[%dma_wait3A_102, %dma_wait3A_103] : memref<40000x64xf32, #tpu.memory_space<hbm>> -> memref<40000x64xf32, #tpu.memory_space<hbm>>
      tpu.wait_indirect_dma semaphore(%arg11 : memref<!tpu.dma_semaphore, #tpu.memory_space<semaphore_mem>>) src(%dma_wait3A_104 : memref<40000x64xf32, #tpu.memory_space<hbm>>) dst(%arg8 : memref<128x64xf32, #tpu.memory_space<vmem>>)
      "tpu.region"() ({
        %run_scoped3A = tpu.sem_alloc : memref<!tpu.dma_semaphore, #tpu.memory_space<semaphore_mem>>
        %dma_start3A_122 = arith.constant 0 : i32
        %dma_start3A_123 = tpu.memref_slice %arg7[%mul3A_91, %dma_start3A_122] : memref<160x128xi32, #tpu.memory_space<vmem>> -> memref<1x128xi32, #tpu.memory_space<vmem>>
        %dma_start3A_124 = tpu.memref_squeeze %dma_start3A_123 : memref<1x128xi32, #tpu.memory_space<vmem>> -> memref<128xi32, #tpu.memory_space<vmem>>
        %dma_start3A_125 = arith.constant 0 : i32
        %dma_start3A_126 = arith.constant 0 : i32
        %dma_start3A_127 = tpu.memref_slice %arg10[%dma_start3A_125, %dma_start3A_126] : memref<10008x64xf32, #tpu.memory_space<vmem_shared>> -> memref<10008x64xf32, #tpu.memory_space<vmem_shared>>
        tpu.enqueue_indirect_dma source(%arg8 : memref<128x64xf32, #tpu.memory_space<vmem>>) target(%dma_start3A_127 : memref<10008x64xf32, #tpu.memory_space<vmem_shared>>) offsets(%dma_start3A_124 : memref<128xi32, #tpu.memory_space<vmem>>) semaphore(%run_scoped3A : memref<!tpu.dma_semaphore, #tpu.memory_space<semaphore_mem>>) {add = true}
        %dma_wait3A_128 = arith.constant 0 : i32
        %dma_wait3A_129 = tpu.memref_slice %arg7[%mul3A_91, %dma_wait3A_128] : memref<160x128xi32, #tpu.memory_space<vmem>> -> memref<1x128xi32, #tpu.memory_space<vmem>>
        %dma_wait3A_130 = tpu.memref_squeeze %dma_wait3A_129 : memref<1x128xi32, #tpu.memory_space<vmem>> -> memref<128xi32, #tpu.memory_space<vmem>>
        %dma_wait3A_131 = arith.constant 0 : i32
        %dma_wait3A_132 = arith.constant 0 : i32
        %dma_wait3A_133 = tpu.memref_slice %arg10[%dma_wait3A_131, %dma_wait3A_132] : memref<10008x64xf32, #tpu.memory_space<vmem_shared>> -> memref<10008x64xf32, #tpu.memory_space<vmem_shared>>
        tpu.wait_indirect_dma semaphore(%run_scoped3A : memref<!tpu.dma_semaphore, #tpu.memory_space<semaphore_mem>>) src(%arg8 : memref<128x64xf32, #tpu.memory_space<vmem>>) dst(%dma_wait3A_133 : memref<10008x64xf32, #tpu.memory_space<vmem_shared>>)
        tpu.yield
      }) : () -> ()
      %add3A_105 = arith.constant 1 : i32
      %add3A_106 = arith.addi %scan3A_89, %add3A_105 : i32
      %lt3A_107 = arith.constant 80 : i32
      %lt3A_108 = arith.cmpi slt, %add3A_106, %lt3A_107 : i32
      %convert_element_type3A_109 = arith.extui %lt3A_108 : i1 to i32
      %cond3A_110 = arith.constant 0 : i32
      %cond3A_111 = arith.cmpi ne, %convert_element_type3A_109, %cond3A_110 : i32
      scf.if %cond3A_111 {
        %add3A_122 = arith.constant 2 : i32
        %add3A_123 = arith.addi %mul3A_91, %add3A_122 : i32
        %dma_start3A_124 = arith.constant 0 : i32
        %dma_start3A_125 = tpu.memref_slice %arg6[%add3A_123, %dma_start3A_124] : memref<160x128xi32, #tpu.memory_space<vmem>> -> memref<1x128xi32, #tpu.memory_space<vmem>>
        %dma_start3A_126 = tpu.memref_squeeze %dma_start3A_125 : memref<1x128xi32, #tpu.memory_space<vmem>> -> memref<128xi32, #tpu.memory_space<vmem>>
        %dma_start3A_127 = arith.constant 0 : i32
        %dma_start3A_128 = arith.constant 0 : i32
        %dma_start3A_129 = tpu.memref_slice %arg2[%dma_start3A_127, %dma_start3A_128] : memref<40000x64xf32, #tpu.memory_space<hbm>> -> memref<40000x64xf32, #tpu.memory_space<hbm>>
        tpu.enqueue_indirect_dma source(%dma_start3A_129 : memref<40000x64xf32, #tpu.memory_space<hbm>>) target(%arg8 : memref<128x64xf32, #tpu.memory_space<vmem>>) offsets(%dma_start3A_126 : memref<128xi32, #tpu.memory_space<vmem>>) semaphore(%arg11 : memref<!tpu.dma_semaphore, #tpu.memory_space<semaphore_mem>>)
      } else {
      }
      %add3A_112 = arith.constant 1 : i32
      %add3A_113 = arith.addi %mul3A_91, %add3A_112 : i32
      %dma_wait3A_114 = arith.constant 0 : i32
      %dma_wait3A_115 = tpu.memref_slice %arg6[%add3A_113, %dma_wait3A_114] : memref<160x128xi32, #tpu.memory_space<vmem>> -> memref<1x128xi32, #tpu.memory_space<vmem>>
      %dma_wait3A_116 = tpu.memref_squeeze %dma_wait3A_115 : memref<1x128xi32, #tpu.memory_space<vmem>> -> memref<128xi32, #tpu.memory_space<vmem>>
      %dma_wait3A_117 = arith.constant 0 : i32
      %dma_wait3A_118 = arith.constant 0 : i32
      %dma_wait3A_119 = tpu.memref_slice %arg2[%dma_wait3A_117, %dma_wait3A_118] : memref<40000x64xf32, #tpu.memory_space<hbm>> -> memref<40000x64xf32, #tpu.memory_space<hbm>>
      tpu.wait_indirect_dma semaphore(%arg12 : memref<!tpu.dma_semaphore, #tpu.memory_space<semaphore_mem>>) src(%dma_wait3A_119 : memref<40000x64xf32, #tpu.memory_space<hbm>>) dst(%arg9 : memref<128x64xf32, #tpu.memory_space<vmem>>)
      %add3A_120 = arith.constant 1 : i32
      %add3A_121 = arith.addi %mul3A_91, %add3A_120 : i32
      "tpu.region"() ({
        %run_scoped3A = tpu.sem_alloc : memref<!tpu.dma_semaphore, #tpu.memory_space<semaphore_mem>>
        %dma_start3A_122 = arith.constant 0 : i32
        %dma_start3A_123 = tpu.memref_slice %arg7[%add3A_121, %dma_start3A_122] : memref<160x128xi32, #tpu.memory_space<vmem>> -> memref<1x128xi32, #tpu.memory_space<vmem>>
        %dma_start3A_124 = tpu.memref_squeeze %dma_start3A_123 : memref<1x128xi32, #tpu.memory_space<vmem>> -> memref<128xi32, #tpu.memory_space<vmem>>
        %dma_start3A_125 = arith.constant 0 : i32
        %dma_start3A_126 = arith.constant 0 : i32
        %dma_start3A_127 = tpu.memref_slice %arg10[%dma_start3A_125, %dma_start3A_126] : memref<10008x64xf32, #tpu.memory_space<vmem_shared>> -> memref<10008x64xf32, #tpu.memory_space<vmem_shared>>
        tpu.enqueue_indirect_dma source(%arg9 : memref<128x64xf32, #tpu.memory_space<vmem>>) target(%dma_start3A_127 : memref<10008x64xf32, #tpu.memory_space<vmem_shared>>) offsets(%dma_start3A_124 : memref<128xi32, #tpu.memory_space<vmem>>) semaphore(%run_scoped3A : memref<!tpu.dma_semaphore, #tpu.memory_space<semaphore_mem>>) {add = true}
        %dma_wait3A_128 = arith.constant 0 : i32
        %dma_wait3A_129 = tpu.memref_slice %arg7[%add3A_121, %dma_wait3A_128] : memref<160x128xi32, #tpu.memory_space<vmem>> -> memref<1x128xi32, #tpu.memory_space<vmem>>
        %dma_wait3A_130 = tpu.memref_squeeze %dma_wait3A_129 : memref<1x128xi32, #tpu.memory_space<vmem>> -> memref<128xi32, #tpu.memory_space<vmem>>
        %dma_wait3A_131 = arith.constant 0 : i32
        %dma_wait3A_132 = arith.constant 0 : i32
        %dma_wait3A_133 = tpu.memref_slice %arg10[%dma_wait3A_131, %dma_wait3A_132] : memref<10008x64xf32, #tpu.memory_space<vmem_shared>> -> memref<10008x64xf32, #tpu.memory_space<vmem_shared>>
        tpu.wait_indirect_dma semaphore(%run_scoped3A : memref<!tpu.dma_semaphore, #tpu.memory_space<semaphore_mem>>) src(%arg9 : memref<128x64xf32, #tpu.memory_space<vmem>>) dst(%dma_wait3A_133 : memref<10008x64xf32, #tpu.memory_space<vmem_shared>>)
        tpu.yield
      }) : () -> ()
    }
    %scan3A_72 = arith.constant 80 : i32
    %barrier3A_73 = arith.constant 0 : index
    tpu.barrier barrier_id(%barrier3A_73)
    %mul3A_74 = arith.constant 10000 : i32
    %mul3A_75 = arith.muli %add3A_44, %mul3A_74 : i32
    %mul3A_76 = arith.constant 632 : i32
    %mul3A_77 = arith.muli %arg1, %mul3A_76 : i32
    %lt3A_78 = arith.constant 15 : i32
    %lt3A_79 = arith.cmpi slt, %arg1, %lt3A_78 : i32
    %convert_element_type3A_80 = arith.extui %lt3A_79 : i1 to i32
    %cond3A_81 = arith.constant 0 : i32
    %cond3A_82 = arith.cmpi ne, %convert_element_type3A_80, %cond3A_81 : i32
    scf.if %cond3A_82 {
      %add3A_89 = arith.constant 0 : i32
      %add3A_90 = arith.addi %add3A_89, %mul3A_77 : i32
      %add3A_91 = arith.addi %mul3A_75, %mul3A_77 : i32
      "tpu.region"() ({
        %run_scoped3A = tpu.sem_alloc : memref<!tpu.dma_semaphore, #tpu.memory_space<semaphore_mem>>
        %dma_start3A_92 = arith.constant 0 : i32
        %dma_start3A_93 = tpu.memref_slice %arg5[%add3A_91, %dma_start3A_92] : memref<40000x64xf32, #tpu.memory_space<hbm>> -> memref<632x64xf32, #tpu.memory_space<hbm>>
        %dma_start3A_94 = arith.constant 0 : i32
        %dma_start3A_95 = tpu.memref_slice %arg10[%add3A_90, %dma_start3A_94] : memref<10008x64xf32, #tpu.memory_space<vmem_shared>> -> memref<632x64xf32, #tpu.memory_space<vmem_shared>>
        tpu.enqueue_dma source(%dma_start3A_95 : memref<632x64xf32, #tpu.memory_space<vmem_shared>>) target(%dma_start3A_93 : memref<632x64xf32, #tpu.memory_space<hbm>>) target_semaphore(%run_scoped3A : memref<!tpu.dma_semaphore, #tpu.memory_space<semaphore_mem>>)
        %dma_wait3A = arith.constant 0 : i32
        %dma_wait3A_96 = tpu.memref_slice %arg5[%add3A_91, %dma_wait3A] : memref<40000x64xf32, #tpu.memory_space<hbm>> -> memref<632x64xf32, #tpu.memory_space<hbm>>
        %dma_wait3A_97 = arith.constant 0 : i32
        %dma_wait3A_98 = tpu.memref_slice %arg10[%add3A_90, %dma_wait3A_97] : memref<10008x64xf32, #tpu.memory_space<vmem_shared>> -> memref<632x64xf32, #tpu.memory_space<vmem_shared>>
        tpu.wait_dma2 semaphore(%run_scoped3A : memref<!tpu.dma_semaphore, #tpu.memory_space<semaphore_mem>>) src(%dma_wait3A_98 : memref<632x64xf32, #tpu.memory_space<vmem_shared>>) dst(%dma_wait3A_96 : memref<632x64xf32, #tpu.memory_space<hbm>>)
        tpu.yield
      }) : () -> ()
    } else {
    }
    %eq3A_83 = arith.constant 15 : i32
    %eq3A_84 = arith.cmpi eq, %arg1, %eq3A_83 : i32
    %convert_element_type3A_85 = arith.extui %eq3A_84 : i1 to i32
    %cond3A_86 = arith.constant 0 : i32
    %cond3A_87 = arith.cmpi ne, %convert_element_type3A_85, %cond3A_86 : i32
    scf.if %cond3A_87 {
      %add3A_89 = arith.constant 9480 : i32
      %add3A_90 = arith.addi %mul3A_75, %add3A_89 : i32
      "tpu.region"() ({
        %run_scoped3A = tpu.sem_alloc : memref<!tpu.dma_semaphore, #tpu.memory_space<semaphore_mem>>
        %dma_start3A_91 = arith.constant 0 : i32
        %dma_start3A_92 = tpu.memref_slice %arg5[%add3A_90, %dma_start3A_91] : memref<40000x64xf32, #tpu.memory_space<hbm>> -> memref<520x64xf32, #tpu.memory_space<hbm>>
        %dma_start3A_93 = arith.constant 9480 : i32
        %dma_start3A_94 = arith.constant 0 : i32
        %dma_start3A_95 = tpu.memref_slice %arg10[%dma_start3A_93, %dma_start3A_94] : memref<10008x64xf32, #tpu.memory_space<vmem_shared>> -> memref<520x64xf32, #tpu.memory_space<vmem_shared>>
        tpu.enqueue_dma source(%dma_start3A_95 : memref<520x64xf32, #tpu.memory_space<vmem_shared>>) target(%dma_start3A_92 : memref<520x64xf32, #tpu.memory_space<hbm>>) target_semaphore(%run_scoped3A : memref<!tpu.dma_semaphore, #tpu.memory_space<semaphore_mem>>)
        %dma_wait3A = arith.constant 0 : i32
        %dma_wait3A_96 = tpu.memref_slice %arg5[%add3A_90, %dma_wait3A] : memref<40000x64xf32, #tpu.memory_space<hbm>> -> memref<520x64xf32, #tpu.memory_space<hbm>>
        %dma_wait3A_97 = arith.constant 9480 : i32
        %dma_wait3A_98 = arith.constant 0 : i32
        %dma_wait3A_99 = tpu.memref_slice %arg10[%dma_wait3A_97, %dma_wait3A_98] : memref<10008x64xf32, #tpu.memory_space<vmem_shared>> -> memref<520x64xf32, #tpu.memory_space<vmem_shared>>
        tpu.wait_dma2 semaphore(%run_scoped3A : memref<!tpu.dma_semaphore, #tpu.memory_space<semaphore_mem>>) src(%dma_wait3A_99 : memref<520x64xf32, #tpu.memory_space<vmem_shared>>) dst(%dma_wait3A_96 : memref<520x64xf32, #tpu.memory_space<hbm>>)
        tpu.yield
      }) : () -> ()
    } else {
    }
    %barrier3A_88 = arith.constant 0 : index
    tpu.barrier barrier_id(%barrier3A_88)
    return
  }
}

#map = affine_map<(d0, d1) -> (0)>
#map1 = affine_map<(d0, d1) -> (0, 0)>
module attributes {stable_mosaic.version = 14 : i64} {
  func.func @_deg_hist(%arg0: i32, %arg1: i32, %arg2: memref<327680xi32, #tpu.memory_space<hbm>>, %arg3: memref<32x10112xf32, #tpu.memory_space<hbm>>, %arg4: memref<10240xi32, #tpu.memory_space<vmem>>, %arg5: memref<10112xf32, #tpu.memory_space<vmem>>) attributes {dimension_semantics = [#tpu.dimension_semantics<core_parallel>, #tpu.dimension_semantics<subcore_parallel>], iteration_bounds = array<i64: 2, 16>, scalar_prefetch = 0 : i64, scratch_operands = 2 : i64, tpu.core_type = #tpu.core_type<sc_vector_subcore>, window_params = [{transform_indices = #map}, {transform_indices = #map1}]} {
    %mul3A = arith.constant 16 : i32
    %mul3A_0 = arith.muli %arg0, %mul3A : i32
    %add3A = arith.addi %mul3A_0, %arg1 : i32
    %mul3A_1 = arith.constant 10240 : i32
    %mul3A_2 = arith.muli %add3A, %mul3A_1 : i32
    "tpu.region"() ({
      %run_scoped3A = tpu.sem_alloc : memref<!tpu.dma_semaphore, #tpu.memory_space<semaphore_mem>>
      %dma_start3A = tpu.memref_slice %arg2[%mul3A_2] : memref<327680xi32, #tpu.memory_space<hbm>> -> memref<10240xi32, #tpu.memory_space<hbm>>
      %dma_start3A_17 = tpu.memref_slice %arg2[%mul3A_2] : memref<327680xi32, #tpu.memory_space<hbm>> -> memref<10240xi32, #tpu.memory_space<hbm>>
      tpu.enqueue_dma source(%dma_start3A_17 : memref<10240xi32, #tpu.memory_space<hbm>>) target(%arg4 : memref<10240xi32, #tpu.memory_space<vmem>>) target_semaphore(%run_scoped3A : memref<!tpu.dma_semaphore, #tpu.memory_space<semaphore_mem>>)
      %dma_wait3A = tpu.memref_slice %arg2[%mul3A_2] : memref<327680xi32, #tpu.memory_space<hbm>> -> memref<10240xi32, #tpu.memory_space<hbm>>
      %dma_wait3A_18 = tpu.memref_slice %arg2[%mul3A_2] : memref<327680xi32, #tpu.memory_space<hbm>> -> memref<10240xi32, #tpu.memory_space<hbm>>
      tpu.wait_dma2 semaphore(%run_scoped3A : memref<!tpu.dma_semaphore, #tpu.memory_space<semaphore_mem>>) src(%dma_wait3A_18 : memref<10240xi32, #tpu.memory_space<hbm>>) dst(%arg4 : memref<10240xi32, #tpu.memory_space<vmem>>)
      tpu.yield
    }) : () -> ()
    %broadcast_in_dim3A = arith.constant 0.000000e+00 : f32
    %broadcast_in_dim3A_3 = vector.broadcast %broadcast_in_dim3A : f32 to vector<16xf32>
    %scan3A = arith.constant 0 : i32
    %scan3A_4 = arith.constant 0 : i32
    %scan3A_5 = arith.constant 632 : i32
    %scan3A_6 = arith.addi %scan3A_4, %scan3A_5 : i32
    %scan3A_7 = arith.constant 1 : i32
    scf.for %scan3A_17 = %scan3A_4 to %scan3A_6 step %scan3A_7  : i32 {
      %mul3A_18 = arith.constant 16 : i32
      %mul3A_19 = arith.muli %scan3A_17, %mul3A_18 : i32
      %swap3A = arith.index_cast %mul3A_19 : i32 to index
      %swap3A_20 = tpu.vector_load %arg5[%swap3A] {strides = array<i32>} : memref<10112xf32, #tpu.memory_space<vmem>>, vector<16xf32>,
      tpu.vector_store %arg5[%swap3A], %broadcast_in_dim3A_3 {strides = array<i32>} : memref<10112xf32, #tpu.memory_space<vmem>>, vector<16xf32>,
    }
    %scan3A_8 = arith.constant 632 : i32
    %broadcast_in_dim3A_9 = arith.constant 1.000000e+00 : f32
    %broadcast_in_dim3A_10 = vector.broadcast %broadcast_in_dim3A_9 : f32 to vector<16xf32>
    %scan3A_11 = arith.constant 0 : i32
    %scan3A_12 = arith.constant 0 : i32
    %scan3A_13 = arith.constant 640 : i32
    %scan3A_14 = arith.addi %scan3A_12, %scan3A_13 : i32
    %scan3A_15 = arith.constant 1 : i32
    scf.for %scan3A_17 = %scan3A_12 to %scan3A_14 step %scan3A_15  : i32 {
      %mul3A_18 = arith.constant 16 : i32
      %mul3A_19 = arith.muli %scan3A_17, %mul3A_18 : i32
      %get3A = arith.index_cast %mul3A_19 : i32 to index
      %get3A_20 = tpu.vector_load %arg4[%get3A] {strides = array<i32>} : memref<10240xi32, #tpu.memory_space<vmem>>, vector<16xi32>,
      tpu.vector_store_idx %arg5[%get3A_20], %broadcast_in_dim3A_10 {add = true} : memref<10112xf32, #tpu.memory_space<vmem>>[vector<16xi32>], vector<16xf32>,
    }
    %scan3A_16 = arith.constant 640 : i32
    "tpu.region"() ({
      %run_scoped3A = tpu.sem_alloc : memref<!tpu.dma_semaphore, #tpu.memory_space<semaphore_mem>>
      %dma_start3A = arith.constant 0 : i32
      %dma_start3A_17 = tpu.memref_slice %arg3[%add3A, %dma_start3A] : memref<32x10112xf32, #tpu.memory_space<hbm>> -> memref<1x10112xf32, #tpu.memory_space<hbm>>
      %dma_start3A_18 = tpu.memref_squeeze %dma_start3A_17 : memref<1x10112xf32, #tpu.memory_space<hbm>> -> memref<10112xf32, #tpu.memory_space<hbm>>
      %dma_start3A_19 = arith.constant 0 : i32
      %dma_start3A_20 = tpu.memref_slice %arg3[%add3A, %dma_start3A_19] : memref<32x10112xf32, #tpu.memory_space<hbm>> -> memref<1x10112xf32, #tpu.memory_space<hbm>>
      %dma_start3A_21 = tpu.memref_squeeze %dma_start3A_20 : memref<1x10112xf32, #tpu.memory_space<hbm>> -> memref<10112xf32, #tpu.memory_space<hbm>>
      tpu.enqueue_dma source(%arg5 : memref<10112xf32, #tpu.memory_space<vmem>>) target(%dma_start3A_21 : memref<10112xf32, #tpu.memory_space<hbm>>) target_semaphore(%run_scoped3A : memref<!tpu.dma_semaphore, #tpu.memory_space<semaphore_mem>>)
      %dma_wait3A = arith.constant 0 : i32
      %dma_wait3A_22 = tpu.memref_slice %arg3[%add3A, %dma_wait3A] : memref<32x10112xf32, #tpu.memory_space<hbm>> -> memref<1x10112xf32, #tpu.memory_space<hbm>>
      %dma_wait3A_23 = tpu.memref_squeeze %dma_wait3A_22 : memref<1x10112xf32, #tpu.memory_space<hbm>> -> memref<10112xf32, #tpu.memory_space<hbm>>
      %dma_wait3A_24 = arith.constant 0 : i32
      %dma_wait3A_25 = tpu.memref_slice %arg3[%add3A, %dma_wait3A_24] : memref<32x10112xf32, #tpu.memory_space<hbm>> -> memref<1x10112xf32, #tpu.memory_space<hbm>>
      %dma_wait3A_26 = tpu.memref_squeeze %dma_wait3A_25 : memref<1x10112xf32, #tpu.memory_space<hbm>> -> memref<10112xf32, #tpu.memory_space<hbm>>
      tpu.wait_dma2 semaphore(%run_scoped3A : memref<!tpu.dma_semaphore, #tpu.memory_space<semaphore_mem>>) src(%arg5 : memref<10112xf32, #tpu.memory_space<vmem>>) dst(%dma_wait3A_26 : memref<10112xf32, #tpu.memory_space<hbm>>)
      tpu.yield
    }) : () -> ()
    return
  }
}

#map = affine_map<(d0, d1) -> (0, 0)>
module attributes {stable_mosaic.version = 14 : i64} {
  func.func @_agg2(%arg0: i32, %arg1: i32, %arg2: memref<10000x64xf32, #tpu.memory_space<hbm>>, %arg3: memref<2560x128xi32, #tpu.memory_space<hbm>>, %arg4: memref<2560x128xi32, #tpu.memory_space<hbm>>, %arg5: memref<20000x64xf32, #tpu.memory_space<hbm>>, %arg6: memref<80x128xi32, #tpu.memory_space<vmem>>, %arg7: memref<80x128xi32, #tpu.memory_space<vmem>>, %arg8: memref<128x64xf32, #tpu.memory_space<vmem>>, %arg9: memref<128x64xf32, #tpu.memory_space<vmem>>, %arg10: memref<10008x64xf32, #tpu.memory_space<vmem_shared>>, %arg11: memref<!tpu.dma_semaphore, #tpu.memory_space<semaphore_mem>>, %arg12: memref<!tpu.dma_semaphore, #tpu.memory_space<semaphore_mem>>) attributes {dimension_semantics = [#tpu.dimension_semantics<core_parallel>, #tpu.dimension_semantics<subcore_parallel>], iteration_bounds = array<i64: 2, 16>, scalar_prefetch = 0 : i64, scratch_operands = 7 : i64, tpu.core_type = #tpu.core_type<sc_vector_subcore>, window_params = [{transform_indices = #map}, {transform_indices = #map}, {transform_indices = #map}, {transform_indices = #map}]} {
    %mul3A = arith.constant 16 : i32
    %mul3A_0 = arith.muli %arg0, %mul3A : i32
    %add3A = arith.addi %mul3A_0, %arg1 : i32
    %mul3A_1 = arith.constant 80 : i32
    %mul3A_2 = arith.muli %add3A, %mul3A_1 : i32
    "tpu.region"() ({
      %run_scoped3A = tpu.sem_alloc : memref<!tpu.dma_semaphore, #tpu.memory_space<semaphore_mem>>
      %dma_start3A_37 = arith.constant 0 : i32
      %dma_start3A_38 = tpu.memref_slice %arg3[%mul3A_2, %dma_start3A_37] : memref<2560x128xi32, #tpu.memory_space<hbm>> -> memref<80x128xi32, #tpu.memory_space<hbm>>
      %dma_start3A_39 = arith.constant 0 : i32
      %dma_start3A_40 = tpu.memref_slice %arg3[%mul3A_2, %dma_start3A_39] : memref<2560x128xi32, #tpu.memory_space<hbm>> -> memref<80x128xi32, #tpu.memory_space<hbm>>
      tpu.enqueue_dma source(%dma_start3A_40 : memref<80x128xi32, #tpu.memory_space<hbm>>) target(%arg6 : memref<80x128xi32, #tpu.memory_space<vmem>>) target_semaphore(%run_scoped3A : memref<!tpu.dma_semaphore, #tpu.memory_space<semaphore_mem>>)
      %dma_wait3A = arith.constant 0 : i32
      %dma_wait3A_41 = tpu.memref_slice %arg3[%mul3A_2, %dma_wait3A] : memref<2560x128xi32, #tpu.memory_space<hbm>> -> memref<80x128xi32, #tpu.memory_space<hbm>>
      %dma_wait3A_42 = arith.constant 0 : i32
      %dma_wait3A_43 = tpu.memref_slice %arg3[%mul3A_2, %dma_wait3A_42] : memref<2560x128xi32, #tpu.memory_space<hbm>> -> memref<80x128xi32, #tpu.memory_space<hbm>>
      tpu.wait_dma2 semaphore(%run_scoped3A : memref<!tpu.dma_semaphore, #tpu.memory_space<semaphore_mem>>) src(%dma_wait3A_43 : memref<80x128xi32, #tpu.memory_space<hbm>>) dst(%arg6 : memref<80x128xi32, #tpu.memory_space<vmem>>)
      tpu.yield
    }) : () -> ()
    "tpu.region"() ({
      %run_scoped3A = tpu.sem_alloc : memref<!tpu.dma_semaphore, #tpu.memory_space<semaphore_mem>>
      %dma_start3A_37 = arith.constant 0 : i32
      %dma_start3A_38 = tpu.memref_slice %arg4[%mul3A_2, %dma_start3A_37] : memref<2560x128xi32, #tpu.memory_space<hbm>> -> memref<80x128xi32, #tpu.memory_space<hbm>>
      %dma_start3A_39 = arith.constant 0 : i32
      %dma_start3A_40 = tpu.memref_slice %arg4[%mul3A_2, %dma_start3A_39] : memref<2560x128xi32, #tpu.memory_space<hbm>> -> memref<80x128xi32, #tpu.memory_space<hbm>>
      tpu.enqueue_dma source(%dma_start3A_40 : memref<80x128xi32, #tpu.memory_space<hbm>>) target(%arg7 : memref<80x128xi32, #tpu.memory_space<vmem>>) target_semaphore(%run_scoped3A : memref<!tpu.dma_semaphore, #tpu.memory_space<semaphore_mem>>)
      %dma_wait3A = arith.constant 0 : i32
      %dma_wait3A_41 = tpu.memref_slice %arg4[%mul3A_2, %dma_wait3A] : memref<2560x128xi32, #tpu.memory_space<hbm>> -> memref<80x128xi32, #tpu.memory_space<hbm>>
      %dma_wait3A_42 = arith.constant 0 : i32
      %dma_wait3A_43 = tpu.memref_slice %arg4[%mul3A_2, %dma_wait3A_42] : memref<2560x128xi32, #tpu.memory_space<hbm>> -> memref<80x128xi32, #tpu.memory_space<hbm>>
      tpu.wait_dma2 semaphore(%run_scoped3A : memref<!tpu.dma_semaphore, #tpu.memory_space<semaphore_mem>>) src(%dma_wait3A_43 : memref<80x128xi32, #tpu.memory_space<hbm>>) dst(%arg7 : memref<80x128xi32, #tpu.memory_space<vmem>>)
      tpu.yield
    }) : () -> ()
    %mul3A_3 = arith.constant 632 : i32
    %mul3A_4 = arith.muli %arg1, %mul3A_3 : i32
    %lt3A = arith.constant 15 : i32
    %lt3A_5 = arith.cmpi slt, %arg1, %lt3A : i32
    %convert_element_type3A = arith.extui %lt3A_5 : i1 to i32
    %cond3A = arith.constant 0 : i32
    %cond3A_6 = arith.cmpi ne, %convert_element_type3A, %cond3A : i32
    scf.if %cond3A_6 {
      %add3A_37 = arith.constant 0 : i32
      %add3A_38 = arith.addi %add3A_37, %mul3A_4 : i32
      %add3A_39 = arith.constant 0 : i32
      %add3A_40 = arith.addi %add3A_39, %mul3A_4 : i32
      "tpu.region"() ({
        %run_scoped3A = tpu.sem_alloc : memref<!tpu.dma_semaphore, #tpu.memory_space<semaphore_mem>>
        %dma_start3A_41 = arith.constant 0 : i32
        %dma_start3A_42 = tpu.memref_slice %arg10[%add3A_40, %dma_start3A_41] : memref<10008x64xf32, #tpu.memory_space<vmem_shared>> -> memref<632x64xf32, #tpu.memory_space<vmem_shared>>
        %dma_start3A_43 = arith.constant 0 : i32
        %dma_start3A_44 = tpu.memref_slice %arg2[%add3A_38, %dma_start3A_43] : memref<10000x64xf32, #tpu.memory_space<hbm>> -> memref<632x64xf32, #tpu.memory_space<hbm>>
        tpu.enqueue_dma source(%dma_start3A_44 : memref<632x64xf32, #tpu.memory_space<hbm>>) target(%dma_start3A_42 : memref<632x64xf32, #tpu.memory_space<vmem_shared>>) target_semaphore(%run_scoped3A : memref<!tpu.dma_semaphore, #tpu.memory_space<semaphore_mem>>)
        %dma_wait3A = arith.constant 0 : i32
        %dma_wait3A_45 = tpu.memref_slice %arg10[%add3A_40, %dma_wait3A] : memref<10008x64xf32, #tpu.memory_space<vmem_shared>> -> memref<632x64xf32, #tpu.memory_space<vmem_shared>>
        %dma_wait3A_46 = arith.constant 0 : i32
        %dma_wait3A_47 = tpu.memref_slice %arg2[%add3A_38, %dma_wait3A_46] : memref<10000x64xf32, #tpu.memory_space<hbm>> -> memref<632x64xf32, #tpu.memory_space<hbm>>
        tpu.wait_dma2 semaphore(%run_scoped3A : memref<!tpu.dma_semaphore, #tpu.memory_space<semaphore_mem>>) src(%dma_wait3A_47 : memref<632x64xf32, #tpu.memory_space<hbm>>) dst(%dma_wait3A_45 : memref<632x64xf32, #tpu.memory_space<vmem_shared>>)
        tpu.yield
      }) : () -> ()
    } else {
    }
    %eq3A = arith.constant 15 : i32
    %eq3A_7 = arith.cmpi eq, %arg1, %eq3A : i32
    %convert_element_type3A_8 = arith.extui %eq3A_7 : i1 to i32
    %cond3A_9 = arith.constant 0 : i32
    %cond3A_10 = arith.cmpi ne, %convert_element_type3A_8, %cond3A_9 : i32
    scf.if %cond3A_10 {
      "tpu.region"() ({
        %run_scoped3A = tpu.sem_alloc : memref<!tpu.dma_semaphore, #tpu.memory_space<semaphore_mem>>
        %dma_start3A_37 = arith.constant 9480 : i32
        %dma_start3A_38 = arith.constant 0 : i32
        %dma_start3A_39 = tpu.memref_slice %arg10[%dma_start3A_37, %dma_start3A_38] : memref<10008x64xf32, #tpu.memory_space<vmem_shared>> -> memref<520x64xf32, #tpu.memory_space<vmem_shared>>
        %dma_start3A_40 = arith.constant 9480 : i32
        %dma_start3A_41 = arith.constant 0 : i32
        %dma_start3A_42 = tpu.memref_slice %arg2[%dma_start3A_40, %dma_start3A_41] : memref<10000x64xf32, #tpu.memory_space<hbm>> -> memref<520x64xf32, #tpu.memory_space<hbm>>
        tpu.enqueue_dma source(%dma_start3A_42 : memref<520x64xf32, #tpu.memory_space<hbm>>) target(%dma_start3A_39 : memref<520x64xf32, #tpu.memory_space<vmem_shared>>) target_semaphore(%run_scoped3A : memref<!tpu.dma_semaphore, #tpu.memory_space<semaphore_mem>>)
        %dma_wait3A = arith.constant 9480 : i32
        %dma_wait3A_43 = arith.constant 0 : i32
        %dma_wait3A_44 = tpu.memref_slice %arg10[%dma_wait3A, %dma_wait3A_43] : memref<10008x64xf32, #tpu.memory_space<vmem_shared>> -> memref<520x64xf32, #tpu.memory_space<vmem_shared>>
        %dma_wait3A_45 = arith.constant 9480 : i32
        %dma_wait3A_46 = arith.constant 0 : i32
        %dma_wait3A_47 = tpu.memref_slice %arg2[%dma_wait3A_45, %dma_wait3A_46] : memref<10000x64xf32, #tpu.memory_space<hbm>> -> memref<520x64xf32, #tpu.memory_space<hbm>>
        tpu.wait_dma2 semaphore(%run_scoped3A : memref<!tpu.dma_semaphore, #tpu.memory_space<semaphore_mem>>) src(%dma_wait3A_47 : memref<520x64xf32, #tpu.memory_space<hbm>>) dst(%dma_wait3A_44 : memref<520x64xf32, #tpu.memory_space<vmem_shared>>)
        tpu.yield
      }) : () -> ()
    } else {
    }
    %barrier3A = arith.constant 0 : index
    tpu.barrier barrier_id(%barrier3A)
    %dma_start3A = arith.constant 0 : i32
    %dma_start3A_11 = arith.constant 0 : i32
    %dma_start3A_12 = tpu.memref_slice %arg6[%dma_start3A, %dma_start3A_11] : memref<80x128xi32, #tpu.memory_space<vmem>> -> memref<1x128xi32, #tpu.memory_space<vmem>>
    %dma_start3A_13 = tpu.memref_squeeze %dma_start3A_12 : memref<1x128xi32, #tpu.memory_space<vmem>> -> memref<128xi32, #tpu.memory_space<vmem>>
    %dma_start3A_14 = arith.constant 0 : i32
    %dma_start3A_15 = arith.constant 0 : i32
    %dma_start3A_16 = tpu.memref_slice %arg2[%dma_start3A_14, %dma_start3A_15] : memref<10000x64xf32, #tpu.memory_space<hbm>> -> memref<10000x64xf32, #tpu.memory_space<hbm>>
    tpu.enqueue_indirect_dma source(%dma_start3A_16 : memref<10000x64xf32, #tpu.memory_space<hbm>>) target(%arg8 : memref<128x64xf32, #tpu.memory_space<vmem>>) offsets(%dma_start3A_13 : memref<128xi32, #tpu.memory_space<vmem>>) semaphore(%arg11 : memref<!tpu.dma_semaphore, #tpu.memory_space<semaphore_mem>>)
    %scan3A = arith.constant 0 : i32
    %scan3A_17 = arith.constant 0 : i32
    %scan3A_18 = arith.constant 40 : i32
    %scan3A_19 = arith.addi %scan3A_17, %scan3A_18 : i32
    %scan3A_20 = arith.constant 1 : i32
    scf.for %scan3A_37 = %scan3A_17 to %scan3A_19 step %scan3A_20  : i32 {
      %mul3A_38 = arith.constant 2 : i32
      %mul3A_39 = arith.muli %mul3A_38, %scan3A_37 : i32
      %add3A_40 = arith.constant 1 : i32
      %add3A_41 = arith.addi %mul3A_39, %add3A_40 : i32
      %dma_start3A_42 = arith.constant 0 : i32
      %dma_start3A_43 = tpu.memref_slice %arg6[%add3A_41, %dma_start3A_42] : memref<80x128xi32, #tpu.memory_space<vmem>> -> memref<1x128xi32, #tpu.memory_space<vmem>>
      %dma_start3A_44 = tpu.memref_squeeze %dma_start3A_43 : memref<1x128xi32, #tpu.memory_space<vmem>> -> memref<128xi32, #tpu.memory_space<vmem>>
      %dma_start3A_45 = arith.constant 0 : i32
      %dma_start3A_46 = arith.constant 0 : i32
      %dma_start3A_47 = tpu.memref_slice %arg2[%dma_start3A_45, %dma_start3A_46] : memref<10000x64xf32, #tpu.memory_space<hbm>> -> memref<10000x64xf32, #tpu.memory_space<hbm>>
      tpu.enqueue_indirect_dma source(%dma_start3A_47 : memref<10000x64xf32, #tpu.memory_space<hbm>>) target(%arg9 : memref<128x64xf32, #tpu.memory_space<vmem>>) offsets(%dma_start3A_44 : memref<128xi32, #tpu.memory_space<vmem>>) semaphore(%arg12 : memref<!tpu.dma_semaphore, #tpu.memory_space<semaphore_mem>>)
      %dma_wait3A = arith.constant 0 : i32
      %dma_wait3A_48 = tpu.memref_slice %arg6[%mul3A_39, %dma_wait3A] : memref<80x128xi32, #tpu.memory_space<vmem>> -> memref<1x128xi32, #tpu.memory_space<vmem>>
      %dma_wait3A_49 = tpu.memref_squeeze %dma_wait3A_48 : memref<1x128xi32, #tpu.memory_space<vmem>> -> memref<128xi32, #tpu.memory_space<vmem>>
      %dma_wait3A_50 = arith.constant 0 : i32
      %dma_wait3A_51 = arith.constant 0 : i32
      %dma_wait3A_52 = tpu.memref_slice %arg2[%dma_wait3A_50, %dma_wait3A_51] : memref<10000x64xf32, #tpu.memory_space<hbm>> -> memref<10000x64xf32, #tpu.memory_space<hbm>>
      tpu.wait_indirect_dma semaphore(%arg11 : memref<!tpu.dma_semaphore, #tpu.memory_space<semaphore_mem>>) src(%dma_wait3A_52 : memref<10000x64xf32, #tpu.memory_space<hbm>>) dst(%arg8 : memref<128x64xf32, #tpu.memory_space<vmem>>)
      "tpu.region"() ({
        %run_scoped3A = tpu.sem_alloc : memref<!tpu.dma_semaphore, #tpu.memory_space<semaphore_mem>>
        %dma_start3A_70 = arith.constant 0 : i32
        %dma_start3A_71 = tpu.memref_slice %arg7[%mul3A_39, %dma_start3A_70] : memref<80x128xi32, #tpu.memory_space<vmem>> -> memref<1x128xi32, #tpu.memory_space<vmem>>
        %dma_start3A_72 = tpu.memref_squeeze %dma_start3A_71 : memref<1x128xi32, #tpu.memory_space<vmem>> -> memref<128xi32, #tpu.memory_space<vmem>>
        %dma_start3A_73 = arith.constant 0 : i32
        %dma_start3A_74 = arith.constant 0 : i32
        %dma_start3A_75 = tpu.memref_slice %arg10[%dma_start3A_73, %dma_start3A_74] : memref<10008x64xf32, #tpu.memory_space<vmem_shared>> -> memref<10008x64xf32, #tpu.memory_space<vmem_shared>>
        tpu.enqueue_indirect_dma source(%arg8 : memref<128x64xf32, #tpu.memory_space<vmem>>) target(%dma_start3A_75 : memref<10008x64xf32, #tpu.memory_space<vmem_shared>>) offsets(%dma_start3A_72 : memref<128xi32, #tpu.memory_space<vmem>>) semaphore(%run_scoped3A : memref<!tpu.dma_semaphore, #tpu.memory_space<semaphore_mem>>) {add = true}
        %dma_wait3A_76 = arith.constant 0 : i32
        %dma_wait3A_77 = tpu.memref_slice %arg7[%mul3A_39, %dma_wait3A_76] : memref<80x128xi32, #tpu.memory_space<vmem>> -> memref<1x128xi32, #tpu.memory_space<vmem>>
        %dma_wait3A_78 = tpu.memref_squeeze %dma_wait3A_77 : memref<1x128xi32, #tpu.memory_space<vmem>> -> memref<128xi32, #tpu.memory_space<vmem>>
        %dma_wait3A_79 = arith.constant 0 : i32
        %dma_wait3A_80 = arith.constant 0 : i32
        %dma_wait3A_81 = tpu.memref_slice %arg10[%dma_wait3A_79, %dma_wait3A_80] : memref<10008x64xf32, #tpu.memory_space<vmem_shared>> -> memref<10008x64xf32, #tpu.memory_space<vmem_shared>>
        tpu.wait_indirect_dma semaphore(%run_scoped3A : memref<!tpu.dma_semaphore, #tpu.memory_space<semaphore_mem>>) src(%arg8 : memref<128x64xf32, #tpu.memory_space<vmem>>) dst(%dma_wait3A_81 : memref<10008x64xf32, #tpu.memory_space<vmem_shared>>)
        tpu.yield
      }) : () -> ()
      %add3A_53 = arith.constant 1 : i32
      %add3A_54 = arith.addi %scan3A_37, %add3A_53 : i32
      %lt3A_55 = arith.constant 40 : i32
      %lt3A_56 = arith.cmpi slt, %add3A_54, %lt3A_55 : i32
      %convert_element_type3A_57 = arith.extui %lt3A_56 : i1 to i32
      %cond3A_58 = arith.constant 0 : i32
      %cond3A_59 = arith.cmpi ne, %convert_element_type3A_57, %cond3A_58 : i32
      scf.if %cond3A_59 {
        %add3A_70 = arith.constant 2 : i32
        %add3A_71 = arith.addi %mul3A_39, %add3A_70 : i32
        %dma_start3A_72 = arith.constant 0 : i32
        %dma_start3A_73 = tpu.memref_slice %arg6[%add3A_71, %dma_start3A_72] : memref<80x128xi32, #tpu.memory_space<vmem>> -> memref<1x128xi32, #tpu.memory_space<vmem>>
        %dma_start3A_74 = tpu.memref_squeeze %dma_start3A_73 : memref<1x128xi32, #tpu.memory_space<vmem>> -> memref<128xi32, #tpu.memory_space<vmem>>
        %dma_start3A_75 = arith.constant 0 : i32
        %dma_start3A_76 = arith.constant 0 : i32
        %dma_start3A_77 = tpu.memref_slice %arg2[%dma_start3A_75, %dma_start3A_76] : memref<10000x64xf32, #tpu.memory_space<hbm>> -> memref<10000x64xf32, #tpu.memory_space<hbm>>
        tpu.enqueue_indirect_dma source(%dma_start3A_77 : memref<10000x64xf32, #tpu.memory_space<hbm>>) target(%arg8 : memref<128x64xf32, #tpu.memory_space<vmem>>) offsets(%dma_start3A_74 : memref<128xi32, #tpu.memory_space<vmem>>) semaphore(%arg11 : memref<!tpu.dma_semaphore, #tpu.memory_space<semaphore_mem>>)
      } else {
      }
      %add3A_60 = arith.constant 1 : i32
      %add3A_61 = arith.addi %mul3A_39, %add3A_60 : i32
      %dma_wait3A_62 = arith.constant 0 : i32
      %dma_wait3A_63 = tpu.memref_slice %arg6[%add3A_61, %dma_wait3A_62] : memref<80x128xi32, #tpu.memory_space<vmem>> -> memref<1x128xi32, #tpu.memory_space<vmem>>
      %dma_wait3A_64 = tpu.memref_squeeze %dma_wait3A_63 : memref<1x128xi32, #tpu.memory_space<vmem>> -> memref<128xi32, #tpu.memory_space<vmem>>
      %dma_wait3A_65 = arith.constant 0 : i32
      %dma_wait3A_66 = arith.constant 0 : i32
      %dma_wait3A_67 = tpu.memref_slice %arg2[%dma_wait3A_65, %dma_wait3A_66] : memref<10000x64xf32, #tpu.memory_space<hbm>> -> memref<10000x64xf32, #tpu.memory_space<hbm>>
      tpu.wait_indirect_dma semaphore(%arg12 : memref<!tpu.dma_semaphore, #tpu.memory_space<semaphore_mem>>) src(%dma_wait3A_67 : memref<10000x64xf32, #tpu.memory_space<hbm>>) dst(%arg9 : memref<128x64xf32, #tpu.memory_space<vmem>>)
      %add3A_68 = arith.constant 1 : i32
      %add3A_69 = arith.addi %mul3A_39, %add3A_68 : i32
      "tpu.region"() ({
        %run_scoped3A = tpu.sem_alloc : memref<!tpu.dma_semaphore, #tpu.memory_space<semaphore_mem>>
        %dma_start3A_70 = arith.constant 0 : i32
        %dma_start3A_71 = tpu.memref_slice %arg7[%add3A_69, %dma_start3A_70] : memref<80x128xi32, #tpu.memory_space<vmem>> -> memref<1x128xi32, #tpu.memory_space<vmem>>
        %dma_start3A_72 = tpu.memref_squeeze %dma_start3A_71 : memref<1x128xi32, #tpu.memory_space<vmem>> -> memref<128xi32, #tpu.memory_space<vmem>>
        %dma_start3A_73 = arith.constant 0 : i32
        %dma_start3A_74 = arith.constant 0 : i32
        %dma_start3A_75 = tpu.memref_slice %arg10[%dma_start3A_73, %dma_start3A_74] : memref<10008x64xf32, #tpu.memory_space<vmem_shared>> -> memref<10008x64xf32, #tpu.memory_space<vmem_shared>>
        tpu.enqueue_indirect_dma source(%arg9 : memref<128x64xf32, #tpu.memory_space<vmem>>) target(%dma_start3A_75 : memref<10008x64xf32, #tpu.memory_space<vmem_shared>>) offsets(%dma_start3A_72 : memref<128xi32, #tpu.memory_space<vmem>>) semaphore(%run_scoped3A : memref<!tpu.dma_semaphore, #tpu.memory_space<semaphore_mem>>) {add = true}
        %dma_wait3A_76 = arith.constant 0 : i32
        %dma_wait3A_77 = tpu.memref_slice %arg7[%add3A_69, %dma_wait3A_76] : memref<80x128xi32, #tpu.memory_space<vmem>> -> memref<1x128xi32, #tpu.memory_space<vmem>>
        %dma_wait3A_78 = tpu.memref_squeeze %dma_wait3A_77 : memref<1x128xi32, #tpu.memory_space<vmem>> -> memref<128xi32, #tpu.memory_space<vmem>>
        %dma_wait3A_79 = arith.constant 0 : i32
        %dma_wait3A_80 = arith.constant 0 : i32
        %dma_wait3A_81 = tpu.memref_slice %arg10[%dma_wait3A_79, %dma_wait3A_80] : memref<10008x64xf32, #tpu.memory_space<vmem_shared>> -> memref<10008x64xf32, #tpu.memory_space<vmem_shared>>
        tpu.wait_indirect_dma semaphore(%run_scoped3A : memref<!tpu.dma_semaphore, #tpu.memory_space<semaphore_mem>>) src(%arg9 : memref<128x64xf32, #tpu.memory_space<vmem>>) dst(%dma_wait3A_81 : memref<10008x64xf32, #tpu.memory_space<vmem_shared>>)
        tpu.yield
      }) : () -> ()
    }
    %scan3A_21 = arith.constant 40 : i32
    %barrier3A_22 = arith.constant 0 : index
    tpu.barrier barrier_id(%barrier3A_22)
    %mul3A_23 = arith.constant 10000 : i32
    %mul3A_24 = arith.muli %arg0, %mul3A_23 : i32
    %mul3A_25 = arith.constant 632 : i32
    %mul3A_26 = arith.muli %arg1, %mul3A_25 : i32
    %lt3A_27 = arith.constant 15 : i32
    %lt3A_28 = arith.cmpi slt, %arg1, %lt3A_27 : i32
    %convert_element_type3A_29 = arith.extui %lt3A_28 : i1 to i32
    %cond3A_30 = arith.constant 0 : i32
    %cond3A_31 = arith.cmpi ne, %convert_element_type3A_29, %cond3A_30 : i32
    scf.if %cond3A_31 {
      %add3A_37 = arith.constant 0 : i32
      %add3A_38 = arith.addi %add3A_37, %mul3A_26 : i32
      %add3A_39 = arith.addi %mul3A_24, %mul3A_26 : i32
      "tpu.region"() ({
        %run_scoped3A = tpu.sem_alloc : memref<!tpu.dma_semaphore, #tpu.memory_space<semaphore_mem>>
        %dma_start3A_40 = arith.constant 0 : i32
        %dma_start3A_41 = tpu.memref_slice %arg5[%add3A_39, %dma_start3A_40] : memref<20000x64xf32, #tpu.memory_space<hbm>> -> memref<632x64xf32, #tpu.memory_space<hbm>>
        %dma_start3A_42 = arith.constant 0 : i32
        %dma_start3A_43 = tpu.memref_slice %arg10[%add3A_38, %dma_start3A_42] : memref<10008x64xf32, #tpu.memory_space<vmem_shared>> -> memref<632x64xf32, #tpu.memory_space<vmem_shared>>
        tpu.enqueue_dma source(%dma_start3A_43 : memref<632x64xf32, #tpu.memory_space<vmem_shared>>) target(%dma_start3A_41 : memref<632x64xf32, #tpu.memory_space<hbm>>) target_semaphore(%run_scoped3A : memref<!tpu.dma_semaphore, #tpu.memory_space<semaphore_mem>>)
        %dma_wait3A = arith.constant 0 : i32
        %dma_wait3A_44 = tpu.memref_slice %arg5[%add3A_39, %dma_wait3A] : memref<20000x64xf32, #tpu.memory_space<hbm>> -> memref<632x64xf32, #tpu.memory_space<hbm>>
        %dma_wait3A_45 = arith.constant 0 : i32
        %dma_wait3A_46 = tpu.memref_slice %arg10[%add3A_38, %dma_wait3A_45] : memref<10008x64xf32, #tpu.memory_space<vmem_shared>> -> memref<632x64xf32, #tpu.memory_space<vmem_shared>>
        tpu.wait_dma2 semaphore(%run_scoped3A : memref<!tpu.dma_semaphore, #tpu.memory_space<semaphore_mem>>) src(%dma_wait3A_46 : memref<632x64xf32, #tpu.memory_space<vmem_shared>>) dst(%dma_wait3A_44 : memref<632x64xf32, #tpu.memory_space<hbm>>)
        tpu.yield
      }) : () -> ()
    } else {
    }
    %eq3A_32 = arith.constant 15 : i32
    %eq3A_33 = arith.cmpi eq, %arg1, %eq3A_32 : i32
    %convert_element_type3A_34 = arith.extui %eq3A_33 : i1 to i32
    %cond3A_35 = arith.constant 0 : i32
    %cond3A_36 = arith.cmpi ne, %convert_element_type3A_34, %cond3A_35 : i32
    scf.if %cond3A_36 {
      %add3A_37 = arith.constant 9480 : i32
      %add3A_38 = arith.addi %mul3A_24, %add3A_37 : i32
      "tpu.region"() ({
        %run_scoped3A = tpu.sem_alloc : memref<!tpu.dma_semaphore, #tpu.memory_space<semaphore_mem>>
        %dma_start3A_39 = arith.constant 0 : i32
        %dma_start3A_40 = tpu.memref_slice %arg5[%add3A_38, %dma_start3A_39] : memref<20000x64xf32, #tpu.memory_space<hbm>> -> memref<520x64xf32, #tpu.memory_space<hbm>>
        %dma_start3A_41 = arith.constant 9480 : i32
        %dma_start3A_42 = arith.constant 0 : i32
        %dma_start3A_43 = tpu.memref_slice %arg10[%dma_start3A_41, %dma_start3A_42] : memref<10008x64xf32, #tpu.memory_space<vmem_shared>> -> memref<520x64xf32, #tpu.memory_space<vmem_shared>>
        tpu.enqueue_dma source(%dma_start3A_43 : memref<520x64xf32, #tpu.memory_space<vmem_shared>>) target(%dma_start3A_40 : memref<520x64xf32, #tpu.memory_space<hbm>>) target_semaphore(%run_scoped3A : memref<!tpu.dma_semaphore, #tpu.memory_space<semaphore_mem>>)
        %dma_wait3A = arith.constant 0 : i32
        %dma_wait3A_44 = tpu.memref_slice %arg5[%add3A_38, %dma_wait3A] : memref<20000x64xf32, #tpu.memory_space<hbm>> -> memref<520x64xf32, #tpu.memory_space<hbm>>
        %dma_wait3A_45 = arith.constant 9480 : i32
        %dma_wait3A_46 = arith.constant 0 : i32
        %dma_wait3A_47 = tpu.memref_slice %arg10[%dma_wait3A_45, %dma_wait3A_46] : memref<10008x64xf32, #tpu.memory_space<vmem_shared>> -> memref<520x64xf32, #tpu.memory_space<vmem_shared>>
        tpu.wait_dma2 semaphore(%run_scoped3A : memref<!tpu.dma_semaphore, #tpu.memory_space<semaphore_mem>>) src(%dma_wait3A_47 : memref<520x64xf32, #tpu.memory_space<vmem_shared>>) dst(%dma_wait3A_44 : memref<520x64xf32, #tpu.memory_space<hbm>>)
        tpu.yield
      }) : () -> ()
    } else {
    }
    return
  }
}

module attributes {stable_mosaic.version = 14 : i64} {
  func.func @_mm1_body(%arg0: i32, %arg1: i32, %arg2: memref<2000x128xf32, #tpu.memory_space<vmem>>, %arg3: memref<1x128x64xf32, #tpu.memory_space<vmem>>, %arg4: memref<2000x1xf32, #tpu.memory_space<vmem>>, %arg5: memref<2000x64xf32, #tpu.memory_space<vmem>>) attributes {dimension_semantics = [#tpu.dimension_semantics<arbitrary>, #tpu.dimension_semantics<arbitrary>], iteration_bounds = array<i64: 4, 5>, scalar_prefetch = 0 : i64, scratch_operands = 0 : i64, tpu.core_type = #tpu.core_type<tc>, window_params = [{transform_indices = @transform_0, window_bounds = array<i64: 2000, 128>}, {transform_indices = @transform_1, window_bounds = array<i64: 1, 128, 64>}, {transform_indices = @transform_2, window_bounds = array<i64: 2000, 1>}, {transform_indices = @transform_3, window_bounds = array<i64: 2000, 64>}]} {
    %get3A = arith.constant 0 : index
    %get3A_0 = arith.constant 0 : index
    %get3A_1 = vector.load %arg2[%get3A, %get3A_0] : memref<2000x128xf32, #tpu.memory_space<vmem>>, vector<2000x128xf32>
    %get3A_2 = arith.constant 0 : index
    %get3A_3 = arith.constant 0 : index
    %get3A_4 = arith.constant 0 : index
    %get3A_5 = vector.load %arg3[%get3A_2, %get3A_3, %get3A_4] : memref<1x128x64xf32, #tpu.memory_space<vmem>>, vector<1x128x64xf32>
    %get3A_6 = vector.shape_cast %get3A_5 : vector<1x128x64xf32> to vector<128x64xf32>
    %dot_general3A = arith.constant dense<0.000000e+00> : vector<2000x64xf32>
    %dot_general3A_7 = tpu.matmul %get3A_1, %get3A_6, %dot_general3A {dimension_numbers = #tpu.dot_dimension_numbers<[1], [0], [0], [1], [0, 0, 1, 1], [], []>, transpose_lhs_hint = false} : vector<2000x128xf32>, vector<128x64xf32>, vector<2000x64xf32> -> vector<2000x64xf32>
    %get3A_8 = arith.constant 0 : index
    %get3A_9 = arith.constant 0 : index
    %get3A_10 = vector.load %arg4[%get3A_8, %get3A_9] : memref<2000x1xf32, #tpu.memory_space<vmem>>, vector<2000x1xf32>
    %mul3A = vector.broadcast %get3A_10 : vector<2000x1xf32> to vector<2000x64xf32>
    %mul3A_11 = arith.mulf %dot_general3A_7, %mul3A : vector<2000x64xf32>
    %swap3A = arith.constant 0 : index
    %swap3A_12 = arith.constant 0 : index
    %swap3A_13 = vector.load %arg5[%swap3A, %swap3A_12] : memref<2000x64xf32, #tpu.memory_space<vmem>>, vector<2000x64xf32>
    tpu.vector_store %arg5[%swap3A, %swap3A_12], %mul3A_11 {strides = array<i32>} : memref<2000x64xf32, #tpu.memory_space<vmem>>, vector<2000x64xf32>,
    return
  }
  func.func @transform_0(%arg0: i32, %arg1: i32) -> (i32, i32) {
    %c0_i32 = arith.constant 0 : i32
    %c0_i32_0 = arith.constant 0 : i32
    return %arg1, %c0_i32 : i32, i32
  }
  func.func @transform_1(%arg0: i32, %arg1: i32) -> (i32, i32, i32) {
    %c0_i32 = arith.constant 0 : i32
    %c0_i32_0 = arith.constant 0 : i32
    %c0_i32_1 = arith.constant 0 : i32
    return %arg0, %c0_i32, %c0_i32_0 : i32, i32, i32
  }
  func.func @transform_2(%arg0: i32, %arg1: i32) -> (i32, i32) {
    %c0_i32 = arith.constant 0 : i32
    %c0_i32_0 = arith.constant 0 : i32
    return %arg1, %c0_i32 : i32, i32
  }
  func.func @transform_3(%arg0: i32, %arg1: i32) -> (i32, i32) {
    %mul3A = arith.constant 5 : i32
    %mul3A_0 = arith.muli %arg0, %mul3A : i32
    %add3A = arith.addi %mul3A_0, %arg1 : i32
    %c0_i32 = arith.constant 0 : i32
    %c0_i32_1 = arith.constant 0 : i32
    return %add3A, %c0_i32 : i32, i32
  }
}

module attributes {stable_mosaic.version = 14 : i64} {
  func.func @_mm2_body(%arg0: i32, %arg1: memref<2000x64xf32, #tpu.memory_space<vmem>>, %arg2: memref<2000x64xf32, #tpu.memory_space<vmem>>, %arg3: memref<2000x64xf32, #tpu.memory_space<vmem>>, %arg4: memref<2000x64xf32, #tpu.memory_space<vmem>>, %arg5: memref<2000x1xf32, #tpu.memory_space<vmem>>, %arg6: memref<4x64xf32, #tpu.memory_space<vmem>>, %arg7: memref<256x64xf32, #tpu.memory_space<vmem>>, %arg8: memref<2000x64xf32, #tpu.memory_space<vmem>>) attributes {dimension_semantics = [#tpu.dimension_semantics<arbitrary>], iteration_bounds = array<i64: 5>, scalar_prefetch = 0 : i64, scratch_operands = 0 : i64, tpu.core_type = #tpu.core_type<tc>, window_params = [{transform_indices = @transform_0, window_bounds = array<i64: 2000, 64>}, {transform_indices = @transform_1, window_bounds = array<i64: 2000, 64>}, {transform_indices = @transform_2, window_bounds = array<i64: 2000, 64>}, {transform_indices = @transform_3, window_bounds = array<i64: 2000, 64>}, {transform_indices = @transform_4, window_bounds = array<i64: 2000, 1>}, {pipeline_mode = #tpu.pipeline_mode<synchronous>, transform_indices = @transform_5, window_bounds = array<i64: 4, 64>}, {pipeline_mode = #tpu.pipeline_mode<synchronous>, transform_indices = @transform_6, window_bounds = array<i64: 256, 64>}, {transform_indices = @transform_7, window_bounds = array<i64: 2000, 64>}]} {
    %get3A = arith.constant 0 : index
    %get3A_0 = arith.constant 0 : index
    %get3A_1 = vector.load %arg5[%get3A, %get3A_0] : memref<2000x1xf32, #tpu.memory_space<vmem>>, vector<2000x1xf32>
    %get3A_2 = arith.constant 0 : index
    %get3A_3 = arith.constant 0 : index
    %get3A_4 = vector.load %arg1[%get3A_2, %get3A_3] : memref<2000x64xf32, #tpu.memory_space<vmem>>, vector<2000x64xf32>
    %mul3A = vector.broadcast %get3A_1 : vector<2000x1xf32> to vector<2000x64xf32>
    %mul3A_5 = arith.mulf %get3A_4, %mul3A : vector<2000x64xf32>
    %get3A_6 = arith.constant 0 : index
    %get3A_7 = arith.constant 0 : index
    %get3A_8 = vector.load %arg6[%get3A_6, %get3A_7] : memref<4x64xf32, #tpu.memory_space<vmem>>, vector<1x64xf32>
    %add3A = vector.broadcast %get3A_8 : vector<1x64xf32> to vector<2000x64xf32>
    %add3A_9 = arith.addf %mul3A_5, %add3A : vector<2000x64xf32>
    %max3A = arith.constant 0.000000e+00 : f32
    %max3A_10 = vector.broadcast %max3A : f32 to vector<2000x64xf32>
    %max3A_11 = arith.maximumf %add3A_9, %max3A_10 : vector<2000x64xf32>
    %get3A_12 = arith.constant 0 : index
    %get3A_13 = arith.constant 0 : index
    %get3A_14 = vector.load %arg7[%get3A_12, %get3A_13] : memref<256x64xf32, #tpu.memory_space<vmem>>, vector<64x64xf32>
    %dot_general3A = arith.constant dense<0.000000e+00> : vector<2000x64xf32>
    %dot_general3A_15 = tpu.matmul %max3A_11, %get3A_14, %dot_general3A {dimension_numbers = #tpu.dot_dimension_numbers<[1], [0], [0], [1], [0, 0, 1, 1], [], []>, transpose_lhs_hint = false} : vector<2000x64xf32>, vector<64x64xf32>, vector<2000x64xf32> -> vector<2000x64xf32>
    %get3A_16 = arith.constant 0 : index
    %get3A_17 = arith.constant 0 : index
    %get3A_18 = vector.load %arg2[%get3A_16, %get3A_17] : memref<2000x64xf32, #tpu.memory_space<vmem>>, vector<2000x64xf32>
    %mul3A_19 = vector.broadcast %get3A_1 : vector<2000x1xf32> to vector<2000x64xf32>
    %mul3A_20 = arith.mulf %get3A_18, %mul3A_19 : vector<2000x64xf32>
    %get3A_21 = arith.constant 1 : index
    %get3A_22 = arith.constant 0 : index
    %get3A_23 = vector.load %arg6[%get3A_21, %get3A_22] : memref<4x64xf32, #tpu.memory_space<vmem>>, vector<1x64xf32>
    %add3A_24 = vector.broadcast %get3A_23 : vector<1x64xf32> to vector<2000x64xf32>
    %add3A_25 = arith.addf %mul3A_20, %add3A_24 : vector<2000x64xf32>
    %max3A_26 = arith.constant 0.000000e+00 : f32
    %max3A_27 = vector.broadcast %max3A_26 : f32 to vector<2000x64xf32>
    %max3A_28 = arith.maximumf %add3A_25, %max3A_27 : vector<2000x64xf32>
    %get3A_29 = arith.constant 64 : index
    %get3A_30 = arith.constant 0 : index
    %get3A_31 = vector.load %arg7[%get3A_29, %get3A_30] : memref<256x64xf32, #tpu.memory_space<vmem>>, vector<64x64xf32>
    %dot_general3A_32 = arith.constant dense<0.000000e+00> : vector<2000x64xf32>
    %dot_general3A_33 = tpu.matmul %max3A_28, %get3A_31, %dot_general3A_32 {dimension_numbers = #tpu.dot_dimension_numbers<[1], [0], [0], [1], [0, 0, 1, 1], [], []>, transpose_lhs_hint = false} : vector<2000x64xf32>, vector<64x64xf32>, vector<2000x64xf32> -> vector<2000x64xf32>
    %add3A_34 = arith.addf %dot_general3A_15, %dot_general3A_33 : vector<2000x64xf32>
    %get3A_35 = arith.constant 0 : index
    %get3A_36 = arith.constant 0 : index
    %get3A_37 = vector.load %arg3[%get3A_35, %get3A_36] : memref<2000x64xf32, #tpu.memory_space<vmem>>, vector<2000x64xf32>
    %mul3A_38 = vector.broadcast %get3A_1 : vector<2000x1xf32> to vector<2000x64xf32>
    %mul3A_39 = arith.mulf %get3A_37, %mul3A_38 : vector<2000x64xf32>
    %get3A_40 = arith.constant 2 : index
    %get3A_41 = arith.constant 0 : index
    %get3A_42 = vector.load %arg6[%get3A_40, %get3A_41] : memref<4x64xf32, #tpu.memory_space<vmem>>, vector<1x64xf32>
    %add3A_43 = vector.broadcast %get3A_42 : vector<1x64xf32> to vector<2000x64xf32>
    %add3A_44 = arith.addf %mul3A_39, %add3A_43 : vector<2000x64xf32>
    %max3A_45 = arith.constant 0.000000e+00 : f32
    %max3A_46 = vector.broadcast %max3A_45 : f32 to vector<2000x64xf32>
    %max3A_47 = arith.maximumf %add3A_44, %max3A_46 : vector<2000x64xf32>
    %get3A_48 = arith.constant 128 : index
    %get3A_49 = arith.constant 0 : index
    %get3A_50 = vector.load %arg7[%get3A_48, %get3A_49] : memref<256x64xf32, #tpu.memory_space<vmem>>, vector<64x64xf32>
    %dot_general3A_51 = arith.constant dense<0.000000e+00> : vector<2000x64xf32>
    %dot_general3A_52 = tpu.matmul %max3A_47, %get3A_50, %dot_general3A_51 {dimension_numbers = #tpu.dot_dimension_numbers<[1], [0], [0], [1], [0, 0, 1, 1], [], []>, transpose_lhs_hint = false} : vector<2000x64xf32>, vector<64x64xf32>, vector<2000x64xf32> -> vector<2000x64xf32>
    %add3A_53 = arith.addf %add3A_34, %dot_general3A_52 : vector<2000x64xf32>
    %get3A_54 = arith.constant 0 : index
    %get3A_55 = arith.constant 0 : index
    %get3A_56 = vector.load %arg4[%get3A_54, %get3A_55] : memref<2000x64xf32, #tpu.memory_space<vmem>>, vector<2000x64xf32>
    %mul3A_57 = vector.broadcast %get3A_1 : vector<2000x1xf32> to vector<2000x64xf32>
    %mul3A_58 = arith.mulf %get3A_56, %mul3A_57 : vector<2000x64xf32>
    %get3A_59 = arith.constant 3 : index
    %get3A_60 = arith.constant 0 : index
    %get3A_61 = vector.load %arg6[%get3A_59, %get3A_60] : memref<4x64xf32, #tpu.memory_space<vmem>>, vector<1x64xf32>
    %add3A_62 = vector.broadcast %get3A_61 : vector<1x64xf32> to vector<2000x64xf32>
    %add3A_63 = arith.addf %mul3A_58, %add3A_62 : vector<2000x64xf32>
    %max3A_64 = arith.constant 0.000000e+00 : f32
    %max3A_65 = vector.broadcast %max3A_64 : f32 to vector<2000x64xf32>
    %max3A_66 = arith.maximumf %add3A_63, %max3A_65 : vector<2000x64xf32>
    %get3A_67 = arith.constant 192 : index
    %get3A_68 = arith.constant 0 : index
    %get3A_69 = vector.load %arg7[%get3A_67, %get3A_68] : memref<256x64xf32, #tpu.memory_space<vmem>>, vector<64x64xf32>
    %dot_general3A_70 = arith.constant dense<0.000000e+00> : vector<2000x64xf32>
    %dot_general3A_71 = tpu.matmul %max3A_66, %get3A_69, %dot_general3A_70 {dimension_numbers = #tpu.dot_dimension_numbers<[1], [0], [0], [1], [0, 0, 1, 1], [], []>, transpose_lhs_hint = false} : vector<2000x64xf32>, vector<64x64xf32>, vector<2000x64xf32> -> vector<2000x64xf32>
    %add3A_72 = arith.addf %add3A_53, %dot_general3A_71 : vector<2000x64xf32>
    %mul3A_73 = vector.broadcast %get3A_1 : vector<2000x1xf32> to vector<2000x64xf32>
    %mul3A_74 = arith.mulf %add3A_72, %mul3A_73 : vector<2000x64xf32>
    %swap3A = arith.constant 0 : index
    %swap3A_75 = arith.constant 0 : index
    %swap3A_76 = vector.load %arg8[%swap3A, %swap3A_75] : memref<2000x64xf32, #tpu.memory_space<vmem>>, vector<2000x64xf32>
    tpu.vector_store %arg8[%swap3A, %swap3A_75], %mul3A_74 {strides = array<i32>} : memref<2000x64xf32, #tpu.memory_space<vmem>>, vector<2000x64xf32>,
    return
  }
  func.func @transform_0(%arg0: i32) -> (i32, i32) {
    %add3A = arith.constant 0 : i32
    %add3A_0 = arith.addi %add3A, %arg0 : i32
    %c0_i32 = arith.constant 0 : i32
    %c0_i32_1 = arith.constant 0 : i32
    return %add3A_0, %c0_i32 : i32, i32
  }
  func.func @transform_1(%arg0: i32) -> (i32, i32) {
    %add3A = arith.constant 5 : i32
    %add3A_0 = arith.addi %add3A, %arg0 : i32
    %c0_i32 = arith.constant 0 : i32
    %c0_i32_1 = arith.constant 0 : i32
    return %add3A_0, %c0_i32 : i32, i32
  }
  func.func @transform_2(%arg0: i32) -> (i32, i32) {
    %add3A = arith.constant 10 : i32
    %add3A_0 = arith.addi %add3A, %arg0 : i32
    %c0_i32 = arith.constant 0 : i32
    %c0_i32_1 = arith.constant 0 : i32
    return %add3A_0, %c0_i32 : i32, i32
  }
  func.func @transform_3(%arg0: i32) -> (i32, i32) {
    %add3A = arith.constant 15 : i32
    %add3A_0 = arith.addi %add3A, %arg0 : i32
    %c0_i32 = arith.constant 0 : i32
    %c0_i32_1 = arith.constant 0 : i32
    return %add3A_0, %c0_i32 : i32, i32
  }
  func.func @transform_4(%arg0: i32) -> (i32, i32) {
    %c0_i32 = arith.constant 0 : i32
    %c0_i32_0 = arith.constant 0 : i32
    return %arg0, %c0_i32 : i32, i32
  }
  func.func @transform_5(%arg0: i32) -> (i32, i32) {
    %c0_i32 = arith.constant 0 : i32
    %c0_i32_0 = arith.constant 0 : i32
    %c0_i32_1 = arith.constant 0 : i32
    return %c0_i32, %c0_i32_0 : i32, i32
  }
  func.func @transform_6(%arg0: i32) -> (i32, i32) {
    %c0_i32 = arith.constant 0 : i32
    %c0_i32_0 = arith.constant 0 : i32
    %c0_i32_1 = arith.constant 0 : i32
    return %c0_i32, %c0_i32_0 : i32, i32
  }
  func.func @transform_7(%arg0: i32) -> (i32, i32) {
    %c0_i32 = arith.constant 0 : i32
    %c0_i32_0 = arith.constant 0 : i32
    return %arg0, %c0_i32 : i32, i32
  }
}

module attributes {stable_mosaic.version = 14 : i64} {
  func.func @_final_body(%arg0: i32, %arg1: memref<2000x64xf32, #tpu.memory_space<vmem>>, %arg2: memref<2000x64xf32, #tpu.memory_space<vmem>>, %arg3: memref<2000x64xf32, #tpu.memory_space<vmem>>, %arg4: memref<2000x1xf32, #tpu.memory_space<vmem>>, %arg5: memref<1x64xf32, #tpu.memory_space<vmem>>, %arg6: memref<2000x64xf32, #tpu.memory_space<vmem>>) attributes {dimension_semantics = [#tpu.dimension_semantics<arbitrary>], iteration_bounds = array<i64: 5>, scalar_prefetch = 0 : i64, scratch_operands = 0 : i64, tpu.core_type = #tpu.core_type<tc>, window_params = [{transform_indices = @transform_0, window_bounds = array<i64: 2000, 64>}, {transform_indices = @transform_1, window_bounds = array<i64: 2000, 64>}, {transform_indices = @transform_2, window_bounds = array<i64: 2000, 64>}, {transform_indices = @transform_3, window_bounds = array<i64: 2000, 1>}, {pipeline_mode = #tpu.pipeline_mode<synchronous>, transform_indices = @transform_4, window_bounds = array<i64: 1, 64>}, {transform_indices = @transform_5, window_bounds = array<i64: 2000, 64>}]} {
    %get3A = arith.constant 0 : index
    %get3A_0 = arith.constant 0 : index
    %get3A_1 = vector.load %arg4[%get3A, %get3A_0] : memref<2000x1xf32, #tpu.memory_space<vmem>>, vector<2000x1xf32>
    %get3A_2 = arith.constant 0 : index
    %get3A_3 = arith.constant 0 : index
    %get3A_4 = vector.load %arg1[%get3A_2, %get3A_3] : memref<2000x64xf32, #tpu.memory_space<vmem>>, vector<2000x64xf32>
    %get3A_5 = arith.constant 0 : index
    %get3A_6 = arith.constant 0 : index
    %get3A_7 = vector.load %arg2[%get3A_5, %get3A_6] : memref<2000x64xf32, #tpu.memory_space<vmem>>, vector<2000x64xf32>
    %add3A = arith.addf %get3A_4, %get3A_7 : vector<2000x64xf32>
    %get3A_8 = arith.constant 0 : index
    %get3A_9 = arith.constant 0 : index
    %get3A_10 = vector.load %arg3[%get3A_8, %get3A_9] : memref<2000x64xf32, #tpu.memory_space<vmem>>, vector<2000x64xf32>
    %sub3A = arith.subf %add3A, %get3A_10 : vector<2000x64xf32>
    %mul3A = vector.broadcast %get3A_1 : vector<2000x1xf32> to vector<2000x64xf32>
    %mul3A_11 = arith.mulf %mul3A, %sub3A : vector<2000x64xf32>
    %get3A_12 = arith.constant 0 : index
    %get3A_13 = arith.constant 0 : index
    %get3A_14 = vector.load %arg5[%get3A_12, %get3A_13] : memref<1x64xf32, #tpu.memory_space<vmem>>, vector<1x64xf32>
    %add3A_15 = vector.broadcast %get3A_14 : vector<1x64xf32> to vector<2000x64xf32>
    %add3A_16 = arith.addf %mul3A_11, %add3A_15 : vector<2000x64xf32>
    %reduce_max3A = arith.constant dense<0xFF800000> : vector<2000xf32>
    %reduce_max3A_17 = vector.multi_reduction <maximumf>, %add3A_16, %reduce_max3A [1] : vector<2000x64xf32> to vector<2000xf32>
    %broadcast_in_dim3A = vector.shape_cast %reduce_max3A_17 : vector<2000xf32> to vector<2000x1xf32>
    %sub3A_18 = vector.broadcast %broadcast_in_dim3A : vector<2000x1xf32> to vector<2000x64xf32>
    %sub3A_19 = arith.subf %add3A_16, %sub3A_18 : vector<2000x64xf32>
    %exp3A = math.exp %sub3A_19 : vector<2000x64xf32>
    %reduce_sum3A = arith.constant dense<0.000000e+00> : vector<2000xf32>
    %reduce_sum3A_20 = vector.multi_reduction <add>, %exp3A, %reduce_sum3A [1] : vector<2000x64xf32> to vector<2000xf32>
    %broadcast_in_dim3A_21 = vector.shape_cast %reduce_sum3A_20 : vector<2000xf32> to vector<2000x1xf32>
    %sub3A_22 = vector.broadcast %broadcast_in_dim3A : vector<2000x1xf32> to vector<2000x64xf32>
    %sub3A_23 = arith.subf %add3A_16, %sub3A_22 : vector<2000x64xf32>
    %log3A = math.log %broadcast_in_dim3A_21 : vector<2000x1xf32>
    %sub3A_24 = vector.broadcast %log3A : vector<2000x1xf32> to vector<2000x64xf32>
    %sub3A_25 = arith.subf %sub3A_23, %sub3A_24 : vector<2000x64xf32>
    %swap3A = arith.constant 0 : index
    %swap3A_26 = arith.constant 0 : index
    %swap3A_27 = vector.load %arg6[%swap3A, %swap3A_26] : memref<2000x64xf32, #tpu.memory_space<vmem>>, vector<2000x64xf32>
    tpu.vector_store %arg6[%swap3A, %swap3A_26], %sub3A_25 {strides = array<i32>} : memref<2000x64xf32, #tpu.memory_space<vmem>>, vector<2000x64xf32>,
    return
  }
  func.func @transform_0(%arg0: i32) -> (i32, i32) {
    %c0_i32 = arith.constant 0 : i32
    %c0_i32_0 = arith.constant 0 : i32
    return %arg0, %c0_i32 : i32, i32
  }
  func.func @transform_1(%arg0: i32) -> (i32, i32) {
    %add3A = arith.constant 5 : i32
    %add3A_0 = arith.addi %add3A, %arg0 : i32
    %c0_i32 = arith.constant 0 : i32
    %c0_i32_1 = arith.constant 0 : i32
    return %add3A_0, %c0_i32 : i32, i32
  }
  func.func @transform_2(%arg0: i32) -> (i32, i32) {
    %c0_i32 = arith.constant 0 : i32
    %c0_i32_0 = arith.constant 0 : i32
    return %arg0, %c0_i32 : i32, i32
  }
  func.func @transform_3(%arg0: i32) -> (i32, i32) {
    %c0_i32 = arith.constant 0 : i32
    %c0_i32_0 = arith.constant 0 : i32
    return %arg0, %c0_i32 : i32, i32
  }
  func.func @transform_4(%arg0: i32) -> (i32, i32) {
    %c0_i32 = arith.constant 0 : i32
    %c0_i32_0 = arith.constant 0 : i32
    %c0_i32_1 = arith.constant 0 : i32
    return %c0_i32, %c0_i32_0 : i32, i32
  }
  func.func @transform_5(%arg0: i32) -> (i32, i32) {
    %c0_i32 = arith.constant 0 : i32
    %c0_i32_0 = arith.constant 0 : i32
    return %arg0, %c0_i32 : i32, i32
  }
}

</mosaic_0001>

<sc_bundles>
// kernel: kernel.11.cloned.1.call-start
scs
__scs_entry_jumppad:
0x0: {  	(pc) =	sbr.rel $0x88, $3  }
0x1: {  	(tag) =	ssettag $0x0;
	lr =	simm.s32 $0x1  }
0x2: {  	[smem:$0x3F9B] =	sst lr;
	_ =	strace $0xD0000000  }
0x3: {  	_ = 	snop  }
0x4: {  	_ = 	snop  }
0x5: {  	_ = 	snop  }
0x6: {  	_ = 	snop  }
0x7: {  	_ = 	snop  }
__scs_overlays_trampoline_lowered:
0x8: {  	[smem:$0x3FAA] =	sst s0  }
0x9: {  	[smem:$0x3FAB] =	sst s1  }
0xa: {  	[smem:$0x3FAC] =	sst s2  }
0xb: {  	[smem:$0x3FAD] =	sst s3  }
0xc: {  	[smem:$0x3FAE] =	sst s4  }
0xd: {  	[smem:$0x3FAF] =	sst s5  }
0xe: {  	[smem:$0x3FB0] =	sst s6  }
0xf: {  	[smem:$0x3FB1] =	sst s7  }
0x10: {  	[smem:$0x3FB2] =	sst s8  }
0x11: {  	[smem:$0x3FB3] =	sst s9;
	s0 =	simm.s32 @!p0 $0x0  }
0x12: {  	s1 =	sld [smem:$0x3F99];
	s0 =	simm.s32 @p0 $0x1  }
0x13: {  	[smem:$0x3FB4] =	sst s0;
	s0 =	simm.s32 @!p1 $0x0  }
0x14: {  	s2 =	sld [smem:$0x3F98];
	s0 =	simm.s32 @p1 $0x1  }
0x15: {  	[smem:$0x3FB5] =	sst s0;
	s0 =	simm.s32 @!p2 $0x0  }
0x16: {  	s3 =	sld [smem:$0x3FDB];
	s0 =	simm.s32 @p2 $0x1  }
0x17: {  	s4 =	simm.s32 $0x1BF5;
	[smem:$0x3FB7] =	sst s0  }
0x18: {  	s0 =	sld [smem:$0x3F9A];
	_ =	swait.ge [sflag:s4], $0x0  }
0x19: {  	s7 =	sld [smem:$0x3F9B]  }
0x1a: {  	s8 =	sadd.s32 $0xFFFFE003, lr  }
0x1b: {  	s9 =	sadd.s32 $0xFFFFFEF7, lr;
	s5 =	simm.s32 $0xFFFFFFFF;
	p2 =	slt.u32 s8, $0xFFFFF086  }
0x1c: {  	p1 =	slt.u32 s9, $0xF7A;
	s5 =	simm.s32 @!p2 $0x0  }
0x1d: {  	s5 =	simm.s32 @p1 $0x1;
	p0 =	seq.s32 s7, s2  }
0x1e: {  	s7 =	smul.u32 @!p0 $0xF7A, s2;
	p2 =	seq.s32 @!p0 s5, $0x0  }
0x1f: {  	s9 =	smul.u32 $0xF7A, s1;
	s8 =	simm.s32 @!p0 $0x1BF5;
	p2 =	por !p2, p0  }
0x20: {  	[sflag:s8] =	ssyncset.s32 @!p0 $0xFFFFF086;
	s6 =	sadd.s32 @!p0 s3, s7;
	s7 =	simm.s32 @!p0 $0x108  }
0x21: {  	s3 =	sadd.s32 s3, s9;
	s6 =	sadd.s32 @!p0 $0x88, s6;
	s7 =	simm.s32 @p2 $0x1082  }
0x22: {  	[simem:s7], [sflag:s8] =	dma.local @!p0 [hbm:s6], $0xF7A  }
0x23: {  	s9 =	sor.u32 $0xD0000000, s2;
	s6 =	simm.s32 $0x108;
	_ =	swait.ge @!p0 [sflag:s8], $0x0  }
0x24: {  	s3 =	sadd.s32 $0x88, s3;
	s6 =	simm.s32 @!p1 $0x1082;
	[sflag:s4] =	ssyncset.s32 $0xFFFFF086  }
0x25: {  	[simem:s6], [sflag:s4] =	dma.local [hbm:s3], $0xF7A  }
0x26: {  	[smem:$0x3F9B] =	sst s1;
	(tag) =	ssettag s2;
	_ =	strace s9  }
0x27: {  	s1 =	sld [smem:$0x3FAB]  }
0x28: {  	s2 =	sld [smem:$0x3FAC]  }
0x29: {  	s4 =	sld [smem:$0x3FAE]  }
0x2a: {  	p0 =	seq.s32 s5, $0x0;
	s5 =	sld [smem:$0x3FAF]  }
0x2b: {  	s6 =	sld [smem:$0x3FB0]  }
0x2c: {  	s7 =	sld [smem:$0x3FB1]  }
0x2d: {  	s3 =	simm.s32 $0x108;
	s8 =	sld [smem:$0x3FB2]  }
0x2e: {  	s3 =	simm.s32 @!p0 $0x1082;
	s9 =	sld [smem:$0x3FB3]  }
0x2f: {  	lr =	sadd.s32 s0, s3;
	s0 =	sld [smem:$0x3FAA]  }
0x30: {  	s3 =	sld [smem:$0x3FAD]  }
0x31: {  	[smem:$0x3FB6] =	sst s10  }
0x32: {  	s10 =	sld [smem:$0x3FB4];
	_ =	sdelay $0x3  }
0x33: {  	p0 =	seq.s32 s10, $0x1;
	s10 =	sld [smem:$0x3FB6];
	_ =	sdelay $0x3  }
0x34: {  	[smem:$0x3FB6] =	sst s10  }
0x35: {  	s10 =	sld [smem:$0x3FB5];
	_ =	sdelay $0x3  }
0x36: {  	p1 =	seq.s32 s10, $0x1;
	s10 =	sld [smem:$0x3FB6];
	_ =	sdelay $0x3  }
0x37: {  	[smem:$0x3FB6] =	sst s10  }
0x38: {  	s10 =	sld [smem:$0x3FB7]  }
0x39: {  	_ = 	snop;
	(pc) =	sbr.ind lr, $3  }
0x3a: {  	_ = 	snop  }
0x3b: {  	_ = 	snop  }
0x3c: {  	p2 =	seq.s32 s10, $0x1;
	s10 =	sld [smem:$0x3FB6]  }
0x3d: {  	_ =	shalt  }
0x3e: {  	_ =	shalt  }
0x3f: {  	_ =	shalt  }
0x40: {  	_ =	shalt  }
0x41: {  	_ =	shalt  }
0x42: {  	_ =	shalt  }
0x43: {  	_ =	shalt  }
0x44: {  	_ =	shalt  }
0x45: {  	_ =	shalt  }
0x46: {  	_ =	shalt  }
0x47: {  	_ =	shalt  }
0x48: {  	_ =	shalt  }
0x49: {  	_ =	shalt  }
0x4a: {  	_ =	shalt  }
0x4b: {  	_ =	shalt  }
0x4c: {  	_ =	shalt  }
0x4d: {  	_ =	shalt  }
0x4e: {  	_ =	shalt  }
0x4f: {  	_ =	shalt  }
0x50: {  	_ =	shalt  }
0x51: {  	_ =	shalt  }
0x52: {  	_ =	shalt  }
0x53: {  	_ =	shalt  }
0x54: {  	_ =	shalt  }
0x55: {  	_ =	shalt  }
0x56: {  	_ =	shalt  }
0x57: {  	_ =	shalt  }
0x58: {  	_ =	shalt  }
0x59: {  	_ =	shalt  }
0x5a: {  	_ =	shalt  }
0x5b: {  	_ =	shalt  }
0x5c: {  	_ =	shalt  }
0x5d: {  	_ =	shalt  }
0x5e: {  	_ =	shalt  }
0x5f: {  	_ =	shalt  }
0x60: {  	_ =	shalt  }
0x61: {  	_ =	shalt  }
0x62: {  	_ =	shalt  }
0x63: {  	_ =	shalt  }
0x64: {  	_ =	shalt  }
0x65: {  	_ =	shalt  }
0x66: {  	_ =	shalt  }
0x67: {  	_ =	shalt  }
0x68: {  	_ =	shalt  }
0x69: {  	_ =	shalt  }
0x6a: {  	_ =	shalt  }
0x6b: {  	_ =	shalt  }
0x6c: {  	_ =	shalt  }
0x6d: {  	_ =	shalt  }
0x6e: {  	_ =	shalt  }
0x6f: {  	_ =	shalt  }
0x70: {  	_ =	shalt  }
0x71: {  	_ =	shalt  }
0x72: {  	_ =	shalt  }
0x73: {  	_ =	shalt  }
0x74: {  	_ =	shalt  }
0x75: {  	_ =	shalt  }
0x76: {  	_ =	shalt  }
0x77: {  	_ =	shalt  }
0x78: {  	_ =	shalt  }
0x79: {  	_ =	shalt  }
0x7a: {  	_ =	shalt  }
0x7b: {  	_ =	shalt  }
0x7c: {  	_ =	shalt  }
0x7d: {  	_ =	shalt  }
0x7e: {  	_ =	shalt  }
0x7f: {  	_ =	shalt  }
0x80: {  	_ =	shalt  }
0x81: {  	_ =	shalt  }
0x82: {  	_ =	shalt  }
0x83: {  	_ =	shalt  }
0x84: {  	_ =	shalt  }
0x85: {  	_ =	shalt  }
0x86: {  	_ =	shalt  }
0x87: {  	_ =	shalt  }
.Lfunc_end0:
.L_simem_size_0:
called_computation.1_lowered:
.L_overlay_start_0:
0x88: {  	s2 =	sld [smem:$0x3FD9]  }
0x89: {  	s3 =	sld [smem:$0x3FFE];
	_ =	sdelay $0x1  }
0x8a: {  	s1 =	srdreg.scid  }
0x8b: {  	s0 =	sand.u32 $0x1, s1  }
0x8c: {  	s16 =	sshll.u32 s0, $0xA;
	s2 =	sadd.s32 s3, s2  }
0x8d: {  	s2 =	sadd.s32 s2, s16  }
0x8e: {  	[smem:$0x3FC2] =	sst s2  }
0x8f: {  	_ = 	snop  }
0x90: {  	(tm) =	ssettm $0x1  }
0x91: {  	s17 =	sld [smem:$0x3FFB];
	_ =	sdelay $0x3  }
0x92: {  	_ =	strace s17  }
0x93: {  	s2 =	sld [smem:$0x3FFC];
	_ =	sdelay $0x3  }
0x94: {  	_ =	strace s2  }
0x95: {  	s2 =	sld [smem:$0x3FFD];
	_ =	sdelay $0x3  }
0x96: {  	_ =	strace s2  }
0x97: {  	_ =	strace $0x8FFFFFFF  }
0x98: {  	s18 =	sld [smem:$0x3FDB];
	_ =	sdelay $0x1  }
0x99: {  	s19 =	simm.s32 $_scs_section_size  }
0x9a: {  	s4 =	simm.s32 $_size__tile_overlayer_lowered;
	s5 =	simm.s32 $_tile_overlayer_lowered  }
0x9b: {  	s22 =	simm.s32 $0x1BFF;
	s21 =	sshll.u32 s5, $0x1;
	s2 =	sadd.s32 s19, s18  }
0x9c: {  	s6 =	simm.s32 $0x0;
	s20 =	sshll.u32 s4, $0x1;
	s4 =	sadd.s32 s21, s2  }
0x9d: {  	[timem:s6], [sflag:s22] =	dma.local [hbm:s4], s20  }
0x9e: {  	_ =	swait.ge [sflag:s22], s20  }
0x9f: {  	s3 =	ssub.s32 $0x0, s20;
	[sflag:s22] =	ssyncset.done $0x0  }
0xa0: {  	[sflag:s22] =	ssyncadd.s32 s3;
	_ =	sdelay $0x1  }
0xa1: {  	s23 =	simm.s32 $0x1B8B  }
0xa2: {  	_ =	swait.ge [sflag:s23], $0x1  }
0xa3: {  	[sflag:s23] =	ssyncset.done $0x0  }
0xa4: {  	s25 =	simm.s32 $0x1B8E;
	s24 =	sld [smem:$0x3FFE];
	[sflag:s23] =	ssyncadd.s32 $0xFFFFFFFF  }
0xa5: {  	s26 =	simm.s32 $execute0_lowered;
	[smem:$0x3FD2] =	sst s25  }
0xa6: {  	s4 =	sshll.u32 s26, $0x1;
	_ =	strace $0x80000049;
	[dreg:$0x1] =	wrdreg $0xFFFFFFFF  }
0xa7: {  	s28 =	simm.s32 $_size_execute0_lowered;
	s2 =	sadd.s32 s2, s4;
	[dreg:$0x0] =	wrdreg $0x0  }
0xa8: {  	s4 =	sshll.u32 s28, $0x1;
	[dreg:$0x2] =	wrdreg s2  }
0xa9: {  	[dreg:$0x3] =	wrdreg s4  }
0xaa: {  	[dreg:$0x4] =	wrdreg $0xC0  }
0xab: {  	_ =	task [dreg:s6], $0x5FFFF  }
0xac: {  	[dreg:$0x1] =	wrdreg $0xFFFFFFFF  }
0xad: {  	[dreg:$0x0] =	wrdreg $0x60  }
0xae: {  	[dreg:$0x2] =	wrdreg s24  }
0xaf: {  	[dreg:$0x3] =	wrdreg $0xE0000  }
0xb0: {  	[dreg:$0x4] =	wrdreg $0x9  }
0xb1: {  	_ =	task.clear_ibuf [dreg:s6], $0x5FFFF;
	_ =	strace $0x90000049  }
0xb2: {  	s29 =	simm.s32 $0x9;
	_ =	strace $0x8000004B  }
0xb3: {  	_ =	swait.ge [sflag:s29], $0x1  }
0xb4: {  	[sflag:s29] =	ssyncadd.s32 $0xFFFFFFFF  }
0xb5: {  	_ =	strace $0x9000004B  }
0xb6: {  	_ =	sfence  }
0xb7: {  	s30 =	sld [smem:$0x0];
	_ =	sdelay $0x2  }
0xb8: {  	s31 =	sshll.u32 s1, $0xD;
	s1 =	sshrl.u32 s1, $0x2  }
0xb9: {  	s3 =	sand.u32 $0x4000, s31;
	s1 =	sadd.s32 s1, s30  }
0xba: {  	s0 =	sor.u32 s3, s0;
	s1 =	sshll.u32 s1, $0x11  }
0xbb: {  	s0 =	sor.u32 s1, s0  }
0xbc: {  	s0 =	sadd.s32 $0x8F2B, s0  }
0xbd: {  	[sflag:s0] =	ssyncadd.remote.s32 $0x1  }
0xbe: {  	_ =	sfence.sel $0xFFFF  }
0xbf: {  	[dreg:$0x0] =	wrdreg $0xFFFFFFFF;
	(pc) =	sbr.abs _section_cstart, $3  }
0xc0: {  	[dreg:$0x1] =	wrdreg $0xFFFFFFFF  }
0xc1: {  	_ =	task.clear_ibuf [dreg:s6], $0x2FFFF;
	_ =	strace $0x9FFFFFFF  }
0xc2: {  	(tm) =	ssettm $0x7FFFFFFF  }
0xc3: {  	_ =	shalt  }
tec
execute0_lowered:
.L_overlay_start_1:
0x0: {  	(tag) =	ssettag $0x1  }
0x1: {  	s0 =	rddreg [dreg:$0x0];
	s19 =	stileid.u32  }
0x2: {  	s2 =	rddreg [dreg:$0x1];
	s3 =	simm.s32 $0x0;
	s1 =	smul.u32 $0x5000, s19  }
0x3: {  	s5 =	srdreg.scid;
	s28 =	simm.s32 $0x9F00;
	s11 =	smul.u32 $0x27800, s19  }
0x4: {  	s29 =	simm.s32 $0x9F80;
	s5 =	sand.u32 $0x1, s5;
	s14 =	smul.u32 $0x278, s19  }
0x5: {  	s30 =	simm.s32 $0x0;
	[smem:$0x7FF] =	sst s3;
	s7 =	smul.u32 $0xA0000, s5  }
0x6: {  	s4 =	sadd.s32 $0xD9600, s0;
	s13 =	sadd.s32 $0x15200, s0;
	s9 =	smul.u32 $0x4E20, s5  }
0x7: {  	s8 =	ssub.s32 $0x2, s5;
	s23 =	smul.u32 $0x138800, s5;
	s5 =	sshllo.u32 s5, $0x1  }
0x8: {  	p0 =	seq.s32 s19, $0xF;
	_ =	strace $0x8000004A;
	s15 =	smul.u32 $0x50000, s5  }
0x9: {  	s6 =	sshrl.u32 s1, $0x3;
	s10 =	sshrl.u32 s8, $0x1;
	s16 =	smul.u32 $0x2710, s5  }
0xa: {  	s21 =	sshrl.u32 s11, $0x2;
	s5 =	smul.u32 $0x9C400, s5;
	s6 =	sadd.s32 s6, s0  }
0xb: {  	s0 =	sadd.s32 $0x3D200, s0;
	s7 =	sadd.s32 s1, s7;
	s18 =	ssub.s32 s8, s10  }
0xc: {  	s22 =	sadd.s32 s14, s9;
	s24 =	sadd.s32 s21, s2;
	s31 =	sshrl.u32 s23, $0x3  }
0xd: {  	s9 =	sadd.s32 $0x94200, s2;
	s21 =	simm.s32 $0x80;
	s23 =	simm.s32 $0xC000  }
0xe: {  	s7 =	sshrl.u32 s7, $0x3;
	s6 =	sadd.s32 $0x1200, s6;
	[dreg:$0x5] =	wrdreg s24  }
0xf: {  	s25 =	sshll.u32 s22, $0x3;
	s12 =	sadd.s32 $0x12840, s31;
	s1 =	sadd.s32 s1, s15  }
0x10: {  	s14 =	sadd.s32 s14, s16;
	s5 =	sshrl.u32 s5, $0x3;
	s18 =	smax.u32 s18, $0x1  }
0x11: {  	s22 =	simm.s32 $0xA000;
	s24 =	simm.s32 $0x1;
	[dreg:$0x3] =	wrdreg s6  }
0x12: {  	s20 =	sadd.s32 s13, s7;
	s26 =	sadd.s32 s4, s25;
	s10 =	sadd.s32 s4, s12  }
0x13: {  	s11 =	sadd.s32 s0, s25;
	s12 =	sadd.s32 s0, s12;
	s1 =	sshrl.u32 s1, $0x3  }
0x14: {  	s16 =	sshll.u32 s14, $0x3;
	s5 =	sadd.s32 $0x12840, s5;
	[dreg:$0x4] =	wrdreg s20  }
0x15: {  	s25 =	simm.s32 $0x2;
	[dreg:$0x6] =	wrdreg s26;
	s13 =	sadd.s32 s13, s1  }
0x16: {  	s14 =	sadd.s32 s4, s16;
	s15 =	sadd.s32 s4, s5;
	s16 =	sadd.s32 s0, s16  }
0x17: {  	s17 =	sadd.s32 s0, s5;
	s20 =	simm.s32 $0x3;
	s26 =	simm.s32 $0x4F80  }
.LBB2_1:
0x18: {  	s0 =	rddreg [dreg:$0x3];
	s1 =	simm.s32 $0x5000  }
0x19: {  	[tilespmem:s1], [sflag:$0x3] =	stream.linear.gather [hbm4b:s0+s3], $0x5000, $0x38;
	[tilespmem:$0x17C60] =	vst v63  }
0x1a: {  	_ =	swait.ge [sflag:s20], $0x5000  }
0x1b: {  	[sflag:s20] =	ssyncset.done $0x0  }
0x1c: {  	s5 =	rddreg [dreg:$0x4];
	[sflag:s20] =	ssyncadd.s32 $0xFFFFB000  }
0x1d: {  	[tilespmem:s3], [sflag:$0x3] =	stream.linear.gather [hbm4b:s5+s3], $0x5000, $0x38;
	[tilespmem:$0x17C60] =	vst v63  }
0x1e: {  	_ =	swait.ge [sflag:s20], $0x5000  }
0x1f: {  	[sflag:s20] =	ssyncset.done $0x0  }
0x20: {  	s31 =	sshrl.u32 @p0 s9, $0x3;
	s0 =	simm.s32 @p0 $0x1FC3;
	[sflag:s20] =	ssyncadd.s32 $0xFFFFB000  }
0x21: {  	[spmem:s31], [sflag:s0] =	dma.local @p0 [hbm:s10], $0x1040  }
0x22: {  	s0 =	simm.s32 @p0 $0x3  }
0x23: {  	s1 =	stileid.u32;
	_ =	swait.ge @p0 [sflag:s0], $0x1040  }
0x24: {  	s1 =	sshll.u32 @!p0 s1, $0x6;
	[sflag:s0] =	ssyncset.done @p0 $0x0  }
0x25: {  	[sflag:s0] =	ssyncadd.s32 @p0 $0xFFFFEFC0;
	s0 =	sor.u32 @!p0 $0x1C03, s1;
	s1 =	rddreg [dreg:$0x5]  }
0x26: {  	s5 =	rddreg [dreg:$0x6];
	s1 =	sshrl.u32 @!p0 s1, $0x3  }
0x27: {  	[spmem:s1], [sflag:s0] =	dma.local @!p0 [hbm:s5], $0x13C0  }
0x28: {  	s5 =	simm.s32 @!p0 $0x3  }
0x29: {  	_ =	swait.ge @!p0 [sflag:s5], $0x13C0  }
0x2a: {  	[sflag:s5] =	ssyncset.done @!p0 $0x0  }
0x2b: {  	[sflag:s5] =	ssyncadd.s32 @!p0 $0xFFFFEC40  }
0x2c: {  	[bflag:$0x0] =	sbarrier.arrive $0xFFFF  }
0x2d: {  	[tilespmem:s22], [sflag:$0x1] =	stream.indirect.gather [hbm4b:s4+s21], $0x40, s3, s21, $0xb8;
	[tilespmem:$0x17C60] =	vst v63  }
0x2e: {  	s6 =	simm.s32 $0x80  }
0x2f: {  	[tilespmem:s23], [sflag:$0x2] =	stream.indirect.gather [hbm4b:s4+s21], $0x40, s6, s21, $0xb8;
	[tilespmem:$0x17C60] =	vst v63  }
0x30: {  	_ =	swait.ge [sflag:s24], $0x2000  }
0x31: {  	[sflag:s24] =	ssyncset.done $0x0  }
0x32: {  	s7 =	simm.s32 $0x5000;
	[sflag:s24] =	ssyncadd.s32 $0xFFFFE000  }
0x33: {  	[spmem:s2] =	stream.indirect.scatter.add.f32 [tilespmem:s22], [sflag:$0x3], $0x40, s7, s21, $0xb8;
	[tilespmem:$0x17C60] =	vst v63  }
0x34: {  	_ =	swait.ge [sflag:s20], $0x2000  }
0x35: {  	[sflag:s20] =	ssyncset.done $0x0  }
0x36: {  	s8 =	simm.s32 $0x100;
	[sflag:s20] =	ssyncadd.s32 $0xFFFFE000  }
0x37: {  	[tilespmem:s22], [sflag:$0x1] =	stream.indirect.gather [hbm4b:s4+s21], $0x40, s8, s21, $0xb8;
	[tilespmem:$0x17C60] =	vst v63  }
0x38: {  	_ =	swait.ge [sflag:s25], $0x2000  }
0x39: {  	[sflag:s25] =	ssyncset.done $0x0  }
0x3a: {  	s19 =	simm.s32 $0x5080;
	[sflag:s25] =	ssyncadd.s32 $0xFFFFE000  }
0x3b: {  	[spmem:s2] =	stream.indirect.scatter.add.f32 [tilespmem:s23], [sflag:$0x3], $0x40, s19, s21, $0xb8;
	[tilespmem:$0x17C60] =	vst v63  }
0x3c: {  	_ =	swait.ge [sflag:s20], $0x2000  }
0x3d: {  	s5 =	simm.s32 $0x800;
	s19 =	simm.s32 $0x100;
	[sflag:s20] =	ssyncset.done $0x0  }
.LBB2_2:
0x3e: {  	s6 =	sadd.s32 $0x80, s19  }
0x3f: {  	[sflag:s20] =	ssyncadd.s32 $0xFFFFE000;
	s7 =	smov.u32 s5;
	s8 =	sadd.s32 $0x400, s5  }
0x40: {  	[tilespmem:s23], [sflag:$0x2] =	stream.indirect.gather [hbm4b:s4+s21], $0x40, s6, s21, $0xb8;
	[tilespmem:$0x17C60] =	vst v63  }
0x41: {  	p1 =	sne.s32 s5, $0x13800;
	_ =	swait.ge [sflag:s24], $0x2000  }
0x42: {  	[sflag:s24] =	ssyncset.done $0x0  }
0x43: {  	s5 =	sadd.s32 $0x5000, s19;
	[sflag:s24] =	ssyncadd.s32 $0xFFFFE000  }
0x44: {  	[spmem:s2] =	stream.indirect.scatter.add.f32 [tilespmem:s22], [sflag:$0x3], $0x40, s5, s21, $0xb8;
	[tilespmem:$0x17C60] =	vst v63  }
0x45: {  	_ =	swait.ge [sflag:s20], $0x2000  }
0x46: {  	[sflag:s20] =	ssyncset.done $0x0  }
0x47: {  	s5 =	sadd.s32 $0x100, s19;
	[sflag:s20] =	ssyncadd.s32 $0xFFFFE000  }
0x48: {  	[tilespmem:s22], [sflag:$0x1] =	stream.indirect.gather [hbm4b:s4+s21], $0x40, s5, s21, $0xb8;
	[tilespmem:$0x17C60] =	vst v63  }
0x49: {  	_ =	swait.ge [sflag:s25], $0x2000  }
.Ltmp0:
0x4a: {  	[sflag:s25] =	ssyncset.done $0x0;
	(pc) =	sbr.rel @p1 .LBB2_2-.Ltmp0, $4  }
0x4b: {  	s5 =	sadd.s32 $0x5080, s19;
	[sflag:s25] =	ssyncadd.s32 $0xFFFFE000  }
0x4c: {  	[spmem:s2] =	stream.indirect.scatter.add.f32 [tilespmem:s23], [sflag:$0x3], $0x40, s5, s21, $0xb8;
	[tilespmem:$0x17C60] =	vst v63  }
0x4d: {  	_ =	swait.ge [sflag:s20], $0x2000  }
0x4e: {  	s19 =	sshra.s32 s7, $0x2;
	s5 =	smov.u32 s8;
	[sflag:s20] =	ssyncset.done $0x0  }
0x4f: {  	s5 =	sadd.s32 $0x80, s19;
	[sflag:s20] =	ssyncadd.s32 $0xFFFFE000  }
0x50: {  	[tilespmem:s23], [sflag:$0x2] =	stream.indirect.gather [hbm4b:s4+s21], $0x40, s5, s21, $0xb8;
	[tilespmem:$0x17C60] =	vst v63  }
0x51: {  	_ =	swait.ge [sflag:s24], $0x2000  }
0x52: {  	[sflag:s24] =	ssyncset.done $0x0  }
0x53: {  	s6 =	sadd.s32 $0x5000, s19;
	[sflag:s24] =	ssyncadd.s32 $0xFFFFE000  }
0x54: {  	[spmem:s2] =	stream.indirect.scatter.add.f32 [tilespmem:s22], [sflag:$0x3], $0x40, s6, s21, $0xb8;
	[tilespmem:$0x17C60] =	vst v63  }
0x55: {  	_ =	swait.ge [sflag:s20], $0x2000  }
0x56: {  	[sflag:s20] =	ssyncset.done $0x0  }
0x57: {  	s7 =	sadd.s32 $0x100, s19;
	[sflag:s20] =	ssyncadd.s32 $0xFFFFE000  }
0x58: {  	[tilespmem:s22], [sflag:$0x1] =	stream.indirect.gather [hbm4b:s4+s21], $0x40, s7, s21, $0xb8;
	[tilespmem:$0x17C60] =	vst v63  }
0x59: {  	_ =	swait.ge [sflag:s25], $0x2000  }
0x5a: {  	[sflag:s25] =	ssyncset.done $0x0  }
0x5b: {  	s8 =	sadd.s32 $0x5080, s19;
	[sflag:s25] =	ssyncadd.s32 $0xFFFFE000  }
0x5c: {  	[spmem:s2] =	stream.indirect.scatter.add.f32 [tilespmem:s23], [sflag:$0x3], $0x40, s8, s21, $0xb8;
	[tilespmem:$0x17C60] =	vst v63  }
0x5d: {  	_ =	swait.ge [sflag:s20], $0x2000  }
0x5e: {  	[sflag:s20] =	ssyncset.done $0x0  }
0x5f: {  	[sflag:s20] =	ssyncadd.s32 $0xFFFFE000  }
0x60: {  	[tilespmem:s23], [sflag:$0x2] =	stream.indirect.gather [hbm4b:s4+s21], $0x40, s26, s21, $0xb8;
	[tilespmem:$0x17C60] =	vst v63  }
0x61: {  	_ =	swait.ge [sflag:s24], $0x2000  }
0x62: {  	[sflag:s24] =	ssyncset.done $0x0  }
0x63: {  	[sflag:s24] =	ssyncadd.s32 $0xFFFFE000  }
0x64: {  	[spmem:s2] =	stream.indirect.scatter.add.f32 [tilespmem:s22], [sflag:$0x3], $0x40, s28, s21, $0xb8;
	[tilespmem:$0x17C60] =	vst v63  }
0x65: {  	_ =	swait.ge [sflag:s20], $0x2000  }
0x66: {  	[sflag:s20] =	ssyncset.done $0x0  }
0x67: {  	[sflag:s20] =	ssyncadd.s32 $0xFFFFE000  }
0x68: {  	_ =	swait.ge [sflag:s25], $0x2000  }
0x69: {  	[sflag:s25] =	ssyncset.done $0x0  }
0x6a: {  	[sflag:s25] =	ssyncadd.s32 $0xFFFFE000  }
0x6b: {  	[spmem:s2] =	stream.indirect.scatter.add.f32 [tilespmem:s23], [sflag:$0x3], $0x40, s29, s21, $0xb8;
	[tilespmem:$0x17C60] =	vst v63  }
0x6c: {  	_ =	swait.ge [sflag:s20], $0x2000  }
0x6d: {  	[sflag:s20] =	ssyncset.done $0x0  }
0x6e: {  	[sflag:s20] =	ssyncadd.s32 $0xFFFFE000  }
0x6f: {  	s5 =	simm.s32 @p0 $0x1FC3;
	s6 =	simm.s32 @p0 $0x3;
	[bflag:$0x0] =	sbarrier.arrive $0xFFFF  }
0x70: {  	[hbm:s12], [sflag:s5] =	dma.local @p0 [spmem:s31], $0x1040  }
0x71: {  	_ =	swait.ge @p0 [sflag:s6], $0x1040  }
0x72: {  	[sflag:s6] =	ssyncset.done @p0 $0x0  }
0x73: {  	s7 =	simm.s32 @!p0 $0x3;
	[sflag:s6] =	ssyncadd.s32 @p0 $0xFFFFEFC0  }
0x74: {  	[hbm:s11], [sflag:s0] =	dma.local @!p0 [spmem:s1], $0x13C0  }
0x75: {  	_ =	swait.ge @!p0 [sflag:s7], $0x13C0  }
0x76: {  	[sflag:s7] =	ssyncset.done @!p0 $0x0  }
0x77: {  	[sflag:s7] =	ssyncadd.s32 @!p0 $0xFFFFEC40  }
0x78: {  	[bflag:$0x0] =	sbarrier.arrive $0xFFFF  }
0x79: {  	[tilespmem:s3], [sflag:$0x3] =	stream.linear.gather [hbm4b:s13+s3], $0x5000, $0x38;
	[tilespmem:$0x17C60] =	vst v63  }
0x7a: {  	_ =	swait.ge [sflag:s20], $0x5000  }
0x7b: {  	[sflag:s20] =	ssyncset.done $0x0  }
0x7c: {  	[sflag:s20] =	ssyncadd.s32 $0xFFFFB000  }
0x7d: {  	[spmem:s31], [sflag:s5] =	dma.local @p0 [hbm:s15], $0x1040  }
0x7e: {  	_ =	swait.ge @p0 [sflag:s6], $0x1040  }
0x7f: {  	[sflag:s6] =	ssyncset.done @p0 $0x0  }
0x80: {  	[sflag:s6] =	ssyncadd.s32 @p0 $0xFFFFEFC0  }
0x81: {  	[spmem:s1], [sflag:s0] =	dma.local @!p0 [hbm:s14], $0x13C0  }
0x82: {  	_ =	swait.ge @!p0 [sflag:s7], $0x13C0  }
0x83: {  	[sflag:s7] =	ssyncset.done @!p0 $0x0  }
0x84: {  	[sflag:s7] =	ssyncadd.s32 @!p0 $0xFFFFEC40  }
0x85: {  	s19 =	simm.s32 $0x0;
	[bflag:$0x0] =	sbarrier.arrive $0xFFFF  }
0x86: {  	[tilespmem:s22], [sflag:$0x1] =	stream.indirect.gather [hbm4b:s4+s21], $0x40, s19, s21, $0xb8;
	[tilespmem:$0x17C60] =	vst v63  }
0x87: {  	s6 =	simm.s32 $0x80  }
0x88: {  	[tilespmem:s23], [sflag:$0x2] =	stream.indirect.gather [hbm4b:s4+s21], $0x40, s6, s21, $0xb8;
	[tilespmem:$0x17C60] =	vst v63  }
0x89: {  	_ =	swait.ge [sflag:s24], $0x2000  }
0x8a: {  	[sflag:s24] =	ssyncset.done $0x0  }
0x8b: {  	s7 =	simm.s32 $0x5000;
	[sflag:s24] =	ssyncadd.s32 $0xFFFFE000  }
0x8c: {  	[spmem:s2] =	stream.indirect.scatter.add.f32 [tilespmem:s22], [sflag:$0x3], $0x40, s7, s21, $0xb8;
	[tilespmem:$0x17C60] =	vst v63  }
0x8d: {  	_ =	swait.ge [sflag:s20], $0x2000  }
0x8e: {  	[sflag:s20] =	ssyncset.done $0x0  }
0x8f: {  	s8 =	simm.s32 $0x100;
	[sflag:s20] =	ssyncadd.s32 $0xFFFFE000  }
0x90: {  	[tilespmem:s22], [sflag:$0x1] =	stream.indirect.gather [hbm4b:s4+s21], $0x40, s8, s21, $0xb8;
	[tilespmem:$0x17C60] =	vst v63  }
0x91: {  	_ =	swait.ge [sflag:s25], $0x2000  }
0x92: {  	[sflag:s25] =	ssyncset.done $0x0  }
0x93: {  	s19 =	simm.s32 $0x5080;
	[sflag:s25] =	ssyncadd.s32 $0xFFFFE000  }
0x94: {  	[spmem:s2] =	stream.indirect.scatter.add.f32 [tilespmem:s23], [sflag:$0x3], $0x40, s19, s21, $0xb8;
	[tilespmem:$0x17C60] =	vst v63  }
0x95: {  	_ =	swait.ge [sflag:s20], $0x2000  }
0x96: {  	s5 =	simm.s32 $0x800;
	s19 =	simm.s32 $0x100;
	[sflag:s20] =	ssyncset.done $0x0  }
.LBB2_4:
0x97: {  	s6 =	sadd.s32 $0x80, s19  }
0x98: {  	[sflag:s20] =	ssyncadd.s32 $0xFFFFE000;
	s7 =	smov.u32 s5;
	s8 =	sadd.s32 $0x400, s5  }
0x99: {  	[tilespmem:s23], [sflag:$0x2] =	stream.indirect.gather [hbm4b:s4+s21], $0x40, s6, s21, $0xb8;
	[tilespmem:$0x17C60] =	vst v63  }
0x9a: {  	p1 =	sne.s32 s5, $0x13800;
	_ =	swait.ge [sflag:s24], $0x2000  }
0x9b: {  	[sflag:s24] =	ssyncset.done $0x0  }
0x9c: {  	s5 =	sadd.s32 $0x5000, s19;
	[sflag:s24] =	ssyncadd.s32 $0xFFFFE000  }
0x9d: {  	[spmem:s2] =	stream.indirect.scatter.add.f32 [tilespmem:s22], [sflag:$0x3], $0x40, s5, s21, $0xb8;
	[tilespmem:$0x17C60] =	vst v63  }
0x9e: {  	_ =	swait.ge [sflag:s20], $0x2000  }
0x9f: {  	[sflag:s20] =	ssyncset.done $0x0  }
0xa0: {  	s5 =	sadd.s32 $0x100, s19;
	[sflag:s20] =	ssyncadd.s32 $0xFFFFE000  }
0xa1: {  	[tilespmem:s22], [sflag:$0x1] =	stream.indirect.gather [hbm4b:s4+s21], $0x40, s5, s21, $0xb8;
	[tilespmem:$0x17C60] =	vst v63  }
0xa2: {  	_ =	swait.ge [sflag:s25], $0x2000  }
.Ltmp1:
0xa3: {  	[sflag:s25] =	ssyncset.done $0x0;
	(pc) =	sbr.rel @p1 .LBB2_4-.Ltmp1, $4  }
0xa4: {  	s5 =	sadd.s32 $0x5080, s19;
	[sflag:s25] =	ssyncadd.s32 $0xFFFFE000  }
0xa5: {  	[spmem:s2] =	stream.indirect.scatter.add.f32 [tilespmem:s23], [sflag:$0x3], $0x40, s5, s21, $0xb8;
	[tilespmem:$0x17C60] =	vst v63  }
0xa6: {  	_ =	swait.ge [sflag:s20], $0x2000  }
0xa7: {  	s19 =	sshra.s32 s7, $0x2;
	s5 =	smov.u32 s8;
	[sflag:s20] =	ssyncset.done $0x0  }
0xa8: {  	s5 =	sadd.s32 $0x80, s19;
	[sflag:s20] =	ssyncadd.s32 $0xFFFFE000  }
0xa9: {  	[tilespmem:s23], [sflag:$0x2] =	stream.indirect.gather [hbm4b:s4+s21], $0x40, s5, s21, $0xb8;
	[tilespmem:$0x17C60] =	vst v63  }
0xaa: {  	_ =	swait.ge [sflag:s24], $0x2000  }
0xab: {  	[sflag:s24] =	ssyncset.done $0x0  }
0xac: {  	s7 =	sadd.s32 $0x5000, s19;
	[sflag:s24] =	ssyncadd.s32 $0xFFFFE000  }
0xad: {  	[spmem:s2] =	stream.indirect.scatter.add.f32 [tilespmem:s22], [sflag:$0x3], $0x40, s7, s21, $0xb8;
	[tilespmem:$0x17C60] =	vst v63  }
0xae: {  	_ =	swait.ge [sflag:s20], $0x2000  }
0xaf: {  	[sflag:s20] =	ssyncset.done $0x0  }
0xb0: {  	s8 =	sadd.s32 $0x100, s19;
	[sflag:s20] =	ssyncadd.s32 $0xFFFFE000  }
0xb1: {  	[tilespmem:s22], [sflag:$0x1] =	stream.indirect.gather [hbm4b:s4+s21], $0x40, s8, s21, $0xb8;
	[tilespmem:$0x17C60] =	vst v63  }
0xb2: {  	_ =	swait.ge [sflag:s25], $0x2000  }
0xb3: {  	[sflag:s25] =	ssyncset.done $0x0  }
0xb4: {  	s19 =	sadd.s32 $0x5080, s19;
	[sflag:s25] =	ssyncadd.s32 $0xFFFFE000  }
0xb5: {  	[spmem:s2] =	stream.indirect.scatter.add.f32 [tilespmem:s23], [sflag:$0x3], $0x40, s19, s21, $0xb8;
	[tilespmem:$0x17C60] =	vst v63  }
0xb6: {  	_ =	swait.ge [sflag:s20], $0x2000  }
0xb7: {  	[sflag:s20] =	ssyncset.done $0x0  }
0xb8: {  	[sflag:s20] =	ssyncadd.s32 $0xFFFFE000  }
0xb9: {  	[tilespmem:s23], [sflag:$0x2] =	stream.indirect.gather [hbm4b:s4+s21], $0x40, s26, s21, $0xb8;
	[tilespmem:$0x17C60] =	vst v63  }
0xba: {  	_ =	swait.ge [sflag:s24], $0x2000  }
0xbb: {  	[sflag:s24] =	ssyncset.done $0x0  }
0xbc: {  	[sflag:s24] =	ssyncadd.s32 $0xFFFFE000  }
0xbd: {  	[spmem:s2] =	stream.indirect.scatter.add.f32 [tilespmem:s22], [sflag:$0x3], $0x40, s28, s21, $0xb8;
	[tilespmem:$0x17C60] =	vst v63  }
0xbe: {  	_ =	swait.ge [sflag:s20], $0x2000  }
0xbf: {  	[sflag:s20] =	ssyncset.done $0x0  }
0xc0: {  	[sflag:s20] =	ssyncadd.s32 $0xFFFFE000  }
0xc1: {  	_ =	swait.ge [sflag:s25], $0x2000  }
0xc2: {  	[sflag:s25] =	ssyncset.done $0x0  }
0xc3: {  	[sflag:s25] =	ssyncadd.s32 $0xFFFFE000  }
0xc4: {  	[spmem:s2] =	stream.indirect.scatter.add.f32 [tilespmem:s23], [sflag:$0x3], $0x40, s29, s21, $0xb8;
	[tilespmem:$0x17C60] =	vst v63  }
0xc5: {  	_ =	swait.ge [sflag:s20], $0x2000  }
0xc6: {  	[sflag:s20] =	ssyncset.done $0x0  }
0xc7: {  	[sflag:s20] =	ssyncadd.s32 $0xFFFFE000  }
0xc8: {  	s5 =	simm.s32 @p0 $0x1FC3;
	[bflag:$0x0] =	sbarrier.arrive $0xFFFF  }
0xc9: {  	[hbm:s17], [sflag:s5] =	dma.local @p0 [spmem:s31], $0x1040  }
0xca: {  	s5 =	simm.s32 @p0 $0x3  }
0xcb: {  	_ =	swait.ge @p0 [sflag:s5], $0x1040  }
0xcc: {  	[sflag:s5] =	ssyncset.done @p0 $0x0  }
0xcd: {  	s30 =	sadd.s32 $0x1, s30;
	[sflag:s5] =	ssyncadd.s32 @p0 $0xFFFFEFC0  }
0xce: {  	[hbm:s16], [sflag:s0] =	dma.local @!p0 [spmem:s1], $0x13C0  }
0xcf: {  	p1 =	sne.s32 s30, s18;
	s0 =	simm.s32 @!p0 $0x3  }
.Ltmp2:
0xd0: {  	_ =	swait.ge @!p0 [sflag:s0], $0x13C0;
	(pc) =	sbr.rel @p1 .LBB2_1-.Ltmp2, $3  }
0xd1: {  	[sflag:s0] =	ssyncset.done @!p0 $0x0  }
0xd2: {  	[sflag:s0] =	ssyncadd.s32 @!p0 $0xFFFFEC40  }
0xd3: {  	[bflag:$0x0] =	sbarrier.arrive $0xFFFF;
	_ =	sdelay $0x1  }
0xd4: {  	_ =	sfence.sel $0x180000  }
0xd5: {  	[bflag:$0x0] =	sbarrier.arrive $0xFFFF  }
0xd6: {  	_ =	strace $0x9000004A  }
0xd7: {  	s0 =	stileid.u32;
	[bflag:$0x2] =	sbarrier.arrive $0xFFFF  }
0xd8: {  	p0 =	sne.s32 s0, $0x0;
	s0 =	rddreg [dreg:$0x2]  }
0xd9: {  	s0 =	sadd.s32 @!p0 $0x100000, s0  }
0xda: {  	[sflag:s0] =	ssyncadd.tile.s32 @!p0 $0x1;
	_ =	shalt  }
.Lfunc_end2:
_tile_overlayer_lowered:
.L_overlay_start_2:
0xdb: {  	(tag) =	ssettag $0x2  }
0xdc: {  	s0 =	rddreg [dreg:$0x0];
	s2 =	stileid.u32  }
0xdd: {  	s1 =	rddreg [dreg:$0x1];
	p0 =	sne.s32 s2, $0x0  }
0xde: {  	s3 =	rddreg [dreg:$0x2];
	[bflag:$0x3] =	sbarrier.arrive $0xFFFF;
	s2 =	simm.s32 @!p0 $0x1C03  }
0xdf: {  	[timem:s3], [sflag:s2] =	dma.local @!p0 [hbm:s0], s1  }
0xe0: {  	s0 =	simm.s32 @!p0 $0x3  }
0xe1: {  	_ =	swait.ge @!p0 [sflag:s0], s1  }
0xe2: {  	s1 =	ssub.s32 @!p0 $0x0, s1;
	[sflag:s0] =	ssyncset.done @!p0 $0x0  }
0xe3: {  	[sflag:s0] =	ssyncadd.s32 @!p0 s1  }
0xe4: {  	[bflag:$0x3] =	sbarrier.arrive $0xFFFF  }
0xe5: {  	_ =	shalt  }

// kernel: kernel.14.cloned.1.call-start
scs
__scs_entry_jumppad:
0x0: {  	(pc) =	sbr.rel $0x88, $3  }
0x1: {  	(tag) =	ssettag $0x0;
	lr =	simm.s32 $0x1  }
0x2: {  	[smem:$0x3F9B] =	sst lr;
	_ =	strace $0xD0000000  }
0x3: {  	_ = 	snop  }
0x4: {  	_ = 	snop  }
0x5: {  	_ = 	snop  }
0x6: {  	_ = 	snop  }
0x7: {  	_ = 	snop  }
__scs_overlays_trampoline_lowered:
0x8: {  	[smem:$0x3FAA] =	sst s0  }
0x9: {  	[smem:$0x3FAB] =	sst s1  }
0xa: {  	[smem:$0x3FAC] =	sst s2  }
0xb: {  	[smem:$0x3FAD] =	sst s3  }
0xc: {  	[smem:$0x3FAE] =	sst s4  }
0xd: {  	[smem:$0x3FAF] =	sst s5  }
0xe: {  	[smem:$0x3FB0] =	sst s6  }
0xf: {  	[smem:$0x3FB1] =	sst s7  }
0x10: {  	[smem:$0x3FB2] =	sst s8  }
0x11: {  	[smem:$0x3FB3] =	sst s9;
	s0 =	simm.s32 @!p0 $0x0  }
0x12: {  	s1 =	sld [smem:$0x3F99];
	s0 =	simm.s32 @p0 $0x1  }
0x13: {  	[smem:$0x3FB4] =	sst s0;
	s0 =	simm.s32 @!p1 $0x0  }
0x14: {  	s2 =	sld [smem:$0x3F98];
	s0 =	simm.s32 @p1 $0x1  }
0x15: {  	[smem:$0x3FB5] =	sst s0;
	s0 =	simm.s32 @!p2 $0x0  }
0x16: {  	s3 =	sld [smem:$0x3FDB];
	s0 =	simm.s32 @p2 $0x1  }
0x17: {  	s4 =	simm.s32 $0x1BF5;
	[smem:$0x3FB7] =	sst s0  }
0x18: {  	s0 =	sld [smem:$0x3F9A];
	_ =	swait.ge [sflag:s4], $0x0  }
0x19: {  	s7 =	sld [smem:$0x3F9B]  }
0x1a: {  	s8 =	sadd.s32 $0xFFFFE003, lr  }
0x1b: {  	s9 =	sadd.s32 $0xFFFFFEF7, lr;
	s5 =	simm.s32 $0xFFFFFFFF;
	p2 =	slt.u32 s8, $0xFFFFF086  }
0x1c: {  	p1 =	slt.u32 s9, $0xF7A;
	s5 =	simm.s32 @!p2 $0x0  }
0x1d: {  	s5 =	simm.s32 @p1 $0x1;
	p0 =	seq.s32 s7, s2  }
0x1e: {  	s7 =	smul.u32 @!p0 $0xF7A, s2;
	p2 =	seq.s32 @!p0 s5, $0x0  }
0x1f: {  	s9 =	smul.u32 $0xF7A, s1;
	s8 =	simm.s32 @!p0 $0x1BF5;
	p2 =	por !p2, p0  }
0x20: {  	[sflag:s8] =	ssyncset.s32 @!p0 $0xFFFFF086;
	s6 =	sadd.s32 @!p0 s3, s7;
	s7 =	simm.s32 @!p0 $0x108  }
0x21: {  	s3 =	sadd.s32 s3, s9;
	s6 =	sadd.s32 @!p0 $0x88, s6;
	s7 =	simm.s32 @p2 $0x1082  }
0x22: {  	[simem:s7], [sflag:s8] =	dma.local @!p0 [hbm:s6], $0xF7A  }
0x23: {  	s9 =	sor.u32 $0xD0000000, s2;
	s6 =	simm.s32 $0x108;
	_ =	swait.ge @!p0 [sflag:s8], $0x0  }
0x24: {  	s3 =	sadd.s32 $0x88, s3;
	s6 =	simm.s32 @!p1 $0x1082;
	[sflag:s4] =	ssyncset.s32 $0xFFFFF086  }
0x25: {  	[simem:s6], [sflag:s4] =	dma.local [hbm:s3], $0xF7A  }
0x26: {  	[smem:$0x3F9B] =	sst s1;
	(tag) =	ssettag s2;
	_ =	strace s9  }
0x27: {  	s1 =	sld [smem:$0x3FAB]  }
0x28: {  	s2 =	sld [smem:$0x3FAC]  }
0x29: {  	s4 =	sld [smem:$0x3FAE]  }
0x2a: {  	p0 =	seq.s32 s5, $0x0;
	s5 =	sld [smem:$0x3FAF]  }
0x2b: {  	s6 =	sld [smem:$0x3FB0]  }
0x2c: {  	s7 =	sld [smem:$0x3FB1]  }
0x2d: {  	s3 =	simm.s32 $0x108;
	s8 =	sld [smem:$0x3FB2]  }
0x2e: {  	s3 =	simm.s32 @!p0 $0x1082;
	s9 =	sld [smem:$0x3FB3]  }
0x2f: {  	lr =	sadd.s32 s0, s3;
	s0 =	sld [smem:$0x3FAA]  }
0x30: {  	s3 =	sld [smem:$0x3FAD]  }
0x31: {  	[smem:$0x3FB6] =	sst s10  }
0x32: {  	s10 =	sld [smem:$0x3FB4];
	_ =	sdelay $0x3  }
0x33: {  	p0 =	seq.s32 s10, $0x1;
	s10 =	sld [smem:$0x3FB6];
	_ =	sdelay $0x3  }
0x34: {  	[smem:$0x3FB6] =	sst s10  }
0x35: {  	s10 =	sld [smem:$0x3FB5];
	_ =	sdelay $0x3  }
0x36: {  	p1 =	seq.s32 s10, $0x1;
	s10 =	sld [smem:$0x3FB6];
	_ =	sdelay $0x3  }
0x37: {  	[smem:$0x3FB6] =	sst s10  }
0x38: {  	s10 =	sld [smem:$0x3FB7]  }
0x39: {  	_ = 	snop;
	(pc) =	sbr.ind lr, $3  }
0x3a: {  	_ = 	snop  }
0x3b: {  	_ = 	snop  }
0x3c: {  	p2 =	seq.s32 s10, $0x1;
	s10 =	sld [smem:$0x3FB6]  }
0x3d: {  	_ =	shalt  }
0x3e: {  	_ =	shalt  }
0x3f: {  	_ =	shalt  }
0x40: {  	_ =	shalt  }
0x41: {  	_ =	shalt  }
0x42: {  	_ =	shalt  }
0x43: {  	_ =	shalt  }
0x44: {  	_ =	shalt  }
0x45: {  	_ =	shalt  }
0x46: {  	_ =	shalt  }
0x47: {  	_ =	shalt  }
0x48: {  	_ =	shalt  }
0x49: {  	_ =	shalt  }
0x4a: {  	_ =	shalt  }
0x4b: {  	_ =	shalt  }
0x4c: {  	_ =	shalt  }
0x4d: {  	_ =	shalt  }
0x4e: {  	_ =	shalt  }
0x4f: {  	_ =	shalt  }
0x50: {  	_ =	shalt  }
0x51: {  	_ =	shalt  }
0x52: {  	_ =	shalt  }
0x53: {  	_ =	shalt  }
0x54: {  	_ =	shalt  }
0x55: {  	_ =	shalt  }
0x56: {  	_ =	shalt  }
0x57: {  	_ =	shalt  }
0x58: {  	_ =	shalt  }
0x59: {  	_ =	shalt  }
0x5a: {  	_ =	shalt  }
0x5b: {  	_ =	shalt  }
0x5c: {  	_ =	shalt  }
0x5d: {  	_ =	shalt  }
0x5e: {  	_ =	shalt  }
0x5f: {  	_ =	shalt  }
0x60: {  	_ =	shalt  }
0x61: {  	_ =	shalt  }
0x62: {  	_ =	shalt  }
0x63: {  	_ =	shalt  }
0x64: {  	_ =	shalt  }
0x65: {  	_ =	shalt  }
0x66: {  	_ =	shalt  }
0x67: {  	_ =	shalt  }
0x68: {  	_ =	shalt  }
0x69: {  	_ =	shalt  }
0x6a: {  	_ =	shalt  }
0x6b: {  	_ =	shalt  }
0x6c: {  	_ =	shalt  }
0x6d: {  	_ =	shalt  }
0x6e: {  	_ =	shalt  }
0x6f: {  	_ =	shalt  }
0x70: {  	_ =	shalt  }
0x71: {  	_ =	shalt  }
0x72: {  	_ =	shalt  }
0x73: {  	_ =	shalt  }
0x74: {  	_ =	shalt  }
0x75: {  	_ =	shalt  }
0x76: {  	_ =	shalt  }
0x77: {  	_ =	shalt  }
0x78: {  	_ =	shalt  }
0x79: {  	_ =	shalt  }
0x7a: {  	_ =	shalt  }
0x7b: {  	_ =	shalt  }
0x7c: {  	_ =	shalt  }
0x7d: {  	_ =	shalt  }
0x7e: {  	_ =	shalt  }
0x7f: {  	_ =	shalt  }
0x80: {  	_ =	shalt  }
0x81: {  	_ =	shalt  }
0x82: {  	_ =	shalt  }
0x83: {  	_ =	shalt  }
0x84: {  	_ =	shalt  }
0x85: {  	_ =	shalt  }
0x86: {  	_ =	shalt  }
0x87: {  	_ =	shalt  }
.Lfunc_end0:
.L_simem_size_0:
called_computation.2_lowered:
.L_overlay_start_0:
0x88: {  	s2 =	sld [smem:$0x3FD9]  }
0x89: {  	s3 =	sld [smem:$0x3FFE];
	_ =	sdelay $0x1  }
0x8a: {  	s1 =	srdreg.scid  }
0x8b: {  	s0 =	sand.u32 $0x1, s1  }
0x8c: {  	s17 =	sshll.u32 s0, $0xA;
	s2 =	sadd.s32 s3, s2  }
0x8d: {  	s2 =	sadd.s32 s2, s17  }
0x8e: {  	[smem:$0x3FC2] =	sst s2  }
0x8f: {  	_ = 	snop  }
0x90: {  	s2 =	sld [smem:$0x3FD0];
	(tm) =	ssettm $0x1  }
0x91: {  	s18 =	sld [smem:$0x3FFB];
	_ =	sdelay $0x3  }
0x92: {  	_ =	strace s18  }
0x93: {  	s3 =	sld [smem:$0x3FFC];
	_ =	sdelay $0x3  }
0x94: {  	_ =	strace s3  }
0x95: {  	s3 =	sld [smem:$0x3FFD];
	_ =	sdelay $0x3  }
0x96: {  	_ =	strace s3  }
0x97: {  	_ =	strace $0x8FFFFFFF  }
0x98: {  	s19 =	sld [smem:$0x3FDB];
	_ =	sdelay $0x1  }
0x99: {  	s4 =	simm.s32 $_scs_section_size  }
0x9a: {  	s5 =	simm.s32 $_size__tile_overlayer_lowered;
	s6 =	simm.s32 $_tile_overlayer_lowered  }
0x9b: {  	s22 =	simm.s32 $0x1BFF;
	s21 =	sshll.u32 s6, $0x1;
	s3 =	sadd.s32 s4, s19  }
0x9c: {  	s7 =	simm.s32 $0x0;
	s20 =	sshll.u32 s5, $0x1;
	s5 =	sadd.s32 s21, s3  }
0x9d: {  	[timem:s7], [sflag:s22] =	dma.local [hbm:s5], s20  }
0x9e: {  	_ =	swait.ge [sflag:s22], s20  }
0x9f: {  	s4 =	ssub.s32 $0x0, s20;
	[sflag:s22] =	ssyncset.done $0x0  }
0xa0: {  	[sflag:s22] =	ssyncadd.s32 s4;
	_ =	sdelay $0x1  }
0xa1: {  	s23 =	simm.s32 $0x1B8B  }
0xa2: {  	_ =	swait.ge [sflag:s23], $0x1  }
0xa3: {  	[sflag:s23] =	ssyncset.done $0x0  }
0xa4: {  	s25 =	simm.s32 $0x1B8E;
	s24 =	sld [smem:$0x3FFE];
	[sflag:s23] =	ssyncadd.s32 $0xFFFFFFFF  }
0xa5: {  	s26 =	simm.s32 $execute0_lowered;
	[smem:$0x3FD2] =	sst s25  }
0xa6: {  	s5 =	sshll.u32 s26, $0x1;
	_ =	strace $0x8000004C;
	[dreg:$0x1] =	wrdreg $0xFFFFFFFF  }
0xa7: {  	s28 =	simm.s32 $_size_execute0_lowered;
	s3 =	sadd.s32 s3, s5;
	[dreg:$0x0] =	wrdreg $0x0  }
0xa8: {  	s5 =	sshll.u32 s28, $0x1;
	[dreg:$0x2] =	wrdreg s3  }
0xa9: {  	[dreg:$0x3] =	wrdreg s5  }
0xaa: {  	[dreg:$0x4] =	wrdreg $0xC0  }
0xab: {  	_ =	task [dreg:s7], $0x5FFFF  }
0xac: {  	[dreg:$0x1] =	wrdreg $0xFFFFFFFF  }
0xad: {  	[dreg:$0x0] =	wrdreg $0x60  }
0xae: {  	[dreg:$0x2] =	wrdreg s2  }
0xaf: {  	[dreg:$0x3] =	wrdreg s24  }
0xb0: {  	[dreg:$0x4] =	wrdreg $0x90000  }
0xb1: {  	[dreg:$0x5] =	wrdreg $0x9  }
0xb2: {  	_ =	task.clear_ibuf [dreg:s7], $0x6FFFF;
	_ =	strace $0x9000004C  }
0xb3: {  	s29 =	simm.s32 $0x9;
	_ =	strace $0x8000004E  }
0xb4: {  	_ =	swait.ge [sflag:s29], $0x1  }
0xb5: {  	[sflag:s29] =	ssyncadd.s32 $0xFFFFFFFF  }
0xb6: {  	_ =	strace $0x9000004E  }
0xb7: {  	_ =	sfence  }
0xb8: {  	s30 =	sld [smem:$0x0];
	_ =	sdelay $0x2  }
0xb9: {  	s31 =	sshll.u32 s1, $0xD;
	s1 =	sshrl.u32 s1, $0x2  }
0xba: {  	s3 =	sand.u32 $0x4000, s31;
	s1 =	sadd.s32 s1, s30  }
0xbb: {  	s0 =	sor.u32 s3, s0;
	s1 =	sshll.u32 s1, $0x11  }
0xbc: {  	s0 =	sor.u32 s1, s0  }
0xbd: {  	s0 =	sadd.s32 $0x8F2B, s0  }
0xbe: {  	[sflag:s0] =	ssyncadd.remote.s32 $0x1  }
0xbf: {  	_ =	sfence.sel $0xFFFF  }
0xc0: {  	[dreg:$0x0] =	wrdreg $0xFFFFFFFF;
	(pc) =	sbr.abs _section_cstart, $3  }
0xc1: {  	[dreg:$0x1] =	wrdreg $0xFFFFFFFF  }
0xc2: {  	_ =	task.clear_ibuf [dreg:s7], $0x2FFFF;
	_ =	strace $0x9FFFFFFF  }
0xc3: {  	(tm) =	ssettm $0x7FFFFFFF  }
tec
execute0_lowered:
.L_overlay_start_1:
0x0: {  	(tag) =	ssettag $0x1  }
0x1: {  	s0 =	rddreg [dreg:$0x0]  }
0x2: {  	s1 =	srdreg.scid;
	s5 =	rddreg [dreg:$0x1]  }
0x3: {  	s3 =	rddreg [dreg:$0x2];
	s2 =	stileid.u32;
	s4 =	simm.s32 $0x0  }
0x4: {  	s17 =	simm.s32 $0x80;
	s18 =	simm.s32 $0x5000;
	s19 =	simm.s32 $0x7000  }
0x5: {  	s20 =	simm.s32 $0x1;
	s21 =	simm.s32 $0x2;
	s22 =	simm.s32 $0x2780  }
0x6: {  	s23 =	simm.s32 $0x4F00;
	s24 =	simm.s32 $0x4F80;
	s9 =	smul.u32 $0x13C0, s2  }
0x7: {  	s26 =	simm.s32 $0x0;
	s7 =	sand.u32 $0x1, s1;
	s11 =	smul.u32 $0x9E00, s2  }
0x8: {  	[smem:$0x7FF] =	sst s4;
	s10 =	sadd.s32 $0x15200, s5;
	s30 =	smul.u32 $0x27800, s2  }
0x9: {  	s15 =	sadd.s32 $0x94200, s3;
	p0 =	seq.s32 s2, $0xF;
	s6 =	sshll.u32 s7, $0x4  }
0xa: {  	_ =	strace $0x8000004D;
	s8 =	ssub.s32 $0x2, s7;
	s13 =	smul.u32 $0x13880, s7  }
0xb: {  	s14 =	smul.u32 $0x9C400, s7;
	s6 =	sor.u32 s2, s6;
	s28 =	sshrl.u32 s8, $0x1  }
0xc: {  	s29 =	sshrl.u32 s11, $0x3;
	s16 =	sadd.s32 s11, s3;
	s11 =	sshrl.u32 s30, $0x2  }
0xd: {  	s6 =	smul.u32 $0x500, s6;
	s12 =	ssub.s32 s8, s28;
	s7 =	sadd.s32 s0, s29  }
0xe: {  	s8 =	sadd.s32 $0x12840, s0;
	s14 =	sshrl.u32 s14, $0x3;
	s9 =	sadd.s32 s9, s13  }
0xf: {  	s25 =	sadd.s32 s11, s3;
	s13 =	simm.s32 $0x2800;
	s16 =	sshrl.u32 @!p0 s16, $0x3  }
0x10: {  	s31 =	sadd.s32 s10, s14;
	s9 =	sadd.s32 s10, s9;
	s11 =	smax.u32 s12, $0x1  }
0x11: {  	s12 =	simm.s32 $0x3;
	s14 =	sshrl.u32 @p0 s15, $0x3;
	s15 =	sshll.u32 @!p0 s2, $0x6  }
0x12: {  	s25 =	sshrl.u32 @!p0 s25, $0x3;
	s6 =	sadd.s32 s6, s5;
	s10 =	sadd.s32 $0x12840, s31  }
0x13: {  	s15 =	sor.u32 @!p0 $0x1C03, s15;
	s5 =	sadd.s32 $0xB200, s6;
	s6 =	sadd.s32 $0x1200, s6  }
.LBB2_1:
0x14: {  	[tilespmem:s4], [sflag:$0x3] =	stream.linear.gather [hbm4b:s5+s4], $0x2800, $0x38;
	[tilespmem:$0x12C60] =	vst v63  }
0x15: {  	_ =	swait.ge [sflag:s12], $0x2800  }
0x16: {  	[sflag:s12] =	ssyncset.done $0x0  }
0x17: {  	[sflag:s12] =	ssyncadd.s32 $0xFFFFD800  }
0x18: {  	[tilespmem:s13], [sflag:$0x3] =	stream.linear.gather [hbm4b:s6+s4], $0x2800, $0x38;
	[tilespmem:$0x12C60] =	vst v63  }
0x19: {  	_ =	swait.ge [sflag:s12], $0x2800  }
0x1a: {  	[sflag:s12] =	ssyncset.done $0x0  }
0x1b: {  	s28 =	simm.s32 @p0 $0x1FC3;
	[sflag:s12] =	ssyncadd.s32 $0xFFFFD800  }
0x1c: {  	[spmem:s14], [sflag:s28] =	dma.local @p0 [hbm:s8], $0x1040  }
0x1d: {  	s28 =	simm.s32 @p0 $0x3  }
0x1e: {  	_ =	swait.ge @p0 [sflag:s28], $0x1040  }
0x1f: {  	[sflag:s28] =	ssyncset.done @p0 $0x0  }
0x20: {  	[sflag:s28] =	ssyncadd.s32 @p0 $0xFFFFEFC0;
	s28 =	simm.s32 @!p0 $0x3  }
0x21: {  	[spmem:s16], [sflag:s15] =	dma.local @!p0 [hbm:s7], $0x13C0  }
0x22: {  	_ =	swait.ge @!p0 [sflag:s28], $0x13C0  }
0x23: {  	[sflag:s28] =	ssyncset.done @!p0 $0x0  }
0x24: {  	[sflag:s28] =	ssyncadd.s32 @!p0 $0xFFFFEC40  }
0x25: {  	[bflag:$0x0] =	sbarrier.arrive $0xFFFF  }
0x26: {  	[tilespmem:s18], [sflag:$0x1] =	stream.indirect.gather [hbm4b:s0+s17], $0x40, s4, s17, $0xb8;
	[tilespmem:$0x12C60] =	vst v63  }
0x27: {  	s28 =	simm.s32 $0x80  }
0x28: {  	[tilespmem:s19], [sflag:$0x2] =	stream.indirect.gather [hbm4b:s0+s17], $0x40, s28, s17, $0xb8;
	[tilespmem:$0x12C60] =	vst v63  }
0x29: {  	_ =	swait.ge [sflag:s20], $0x2000  }
0x2a: {  	[sflag:s20] =	ssyncset.done $0x0  }
0x2b: {  	s28 =	simm.s32 $0x2800;
	[sflag:s20] =	ssyncadd.s32 $0xFFFFE000  }
0x2c: {  	[spmem:s3] =	stream.indirect.scatter.add.f32 [tilespmem:s18], [sflag:$0x3], $0x40, s28, s17, $0xb8;
	[tilespmem:$0x12C60] =	vst v63  }
0x2d: {  	_ =	swait.ge [sflag:s12], $0x2000  }
0x2e: {  	[sflag:s12] =	ssyncset.done $0x0  }
0x2f: {  	s28 =	simm.s32 $0x100;
	[sflag:s12] =	ssyncadd.s32 $0xFFFFE000  }
0x30: {  	[tilespmem:s18], [sflag:$0x1] =	stream.indirect.gather [hbm4b:s0+s17], $0x40, s28, s17, $0xb8;
	[tilespmem:$0x12C60] =	vst v63  }
0x31: {  	_ =	swait.ge [sflag:s21], $0x2000  }
0x32: {  	[sflag:s21] =	ssyncset.done $0x0  }
0x33: {  	s28 =	simm.s32 $0x2880;
	[sflag:s21] =	ssyncadd.s32 $0xFFFFE000  }
0x34: {  	[spmem:s3] =	stream.indirect.scatter.add.f32 [tilespmem:s19], [sflag:$0x3], $0x40, s28, s17, $0xb8;
	[tilespmem:$0x12C60] =	vst v63  }
0x35: {  	_ =	swait.ge [sflag:s12], $0x2000  }
0x36: {  	s29 =	simm.s32 $0x800;
	s28 =	simm.s32 $0x100;
	[sflag:s12] =	ssyncset.done $0x0  }
.LBB2_2:
0x37: {  	s30 =	sadd.s32 $0x80, s28  }
0x38: {  	[sflag:s12] =	ssyncadd.s32 $0xFFFFE000;
	s31 =	smov.u32 s29;
	s1 =	sadd.s32 $0x400, s29  }
0x39: {  	[tilespmem:s19], [sflag:$0x2] =	stream.indirect.gather [hbm4b:s0+s17], $0x40, s30, s17, $0xb8;
	[tilespmem:$0x12C60] =	vst v63  }
0x3a: {  	p1 =	sne.s32 s29, $0x9800;
	_ =	swait.ge [sflag:s20], $0x2000  }
0x3b: {  	[sflag:s20] =	ssyncset.done $0x0  }
0x3c: {  	s29 =	sadd.s32 $0x2800, s28;
	[sflag:s20] =	ssyncadd.s32 $0xFFFFE000  }
0x3d: {  	[spmem:s3] =	stream.indirect.scatter.add.f32 [tilespmem:s18], [sflag:$0x3], $0x40, s29, s17, $0xb8;
	[tilespmem:$0x12C60] =	vst v63  }
0x3e: {  	_ =	swait.ge [sflag:s12], $0x2000  }
0x3f: {  	[sflag:s12] =	ssyncset.done $0x0  }
0x40: {  	s29 =	sadd.s32 $0x100, s28;
	[sflag:s12] =	ssyncadd.s32 $0xFFFFE000  }
0x41: {  	[tilespmem:s18], [sflag:$0x1] =	stream.indirect.gather [hbm4b:s0+s17], $0x40, s29, s17, $0xb8;
	[tilespmem:$0x12C60] =	vst v63  }
0x42: {  	_ =	swait.ge [sflag:s21], $0x2000  }
.Ltmp0:
0x43: {  	[sflag:s21] =	ssyncset.done $0x0;
	(pc) =	sbr.rel @p1 .LBB2_2-.Ltmp0, $4  }
0x44: {  	s28 =	sadd.s32 $0x2880, s28;
	[sflag:s21] =	ssyncadd.s32 $0xFFFFE000  }
0x45: {  	[spmem:s3] =	stream.indirect.scatter.add.f32 [tilespmem:s19], [sflag:$0x3], $0x40, s28, s17, $0xb8;
	[tilespmem:$0x12C60] =	vst v63  }
0x46: {  	_ =	swait.ge [sflag:s12], $0x2000  }
0x47: {  	s29 =	smov.u32 s1;
	s28 =	sshra.s32 s31, $0x2;
	[sflag:s12] =	ssyncset.done $0x0  }
0x48: {  	s1 =	sadd.s32 $0x80, s28;
	[sflag:s12] =	ssyncadd.s32 $0xFFFFE000  }
0x49: {  	[tilespmem:s19], [sflag:$0x2] =	stream.indirect.gather [hbm4b:s0+s17], $0x40, s1, s17, $0xb8;
	[tilespmem:$0x12C60] =	vst v63  }
0x4a: {  	_ =	swait.ge [sflag:s20], $0x2000  }
0x4b: {  	[sflag:s20] =	ssyncset.done $0x0  }
0x4c: {  	s29 =	sadd.s32 $0x2800, s28;
	[sflag:s20] =	ssyncadd.s32 $0xFFFFE000  }
0x4d: {  	[spmem:s3] =	stream.indirect.scatter.add.f32 [tilespmem:s18], [sflag:$0x3], $0x40, s29, s17, $0xb8;
	[tilespmem:$0x12C60] =	vst v63  }
0x4e: {  	_ =	swait.ge [sflag:s12], $0x2000  }
0x4f: {  	[sflag:s12] =	ssyncset.done $0x0  }
0x50: {  	s30 =	sadd.s32 $0x100, s28;
	[sflag:s12] =	ssyncadd.s32 $0xFFFFE000  }
0x51: {  	[tilespmem:s18], [sflag:$0x1] =	stream.indirect.gather [hbm4b:s0+s17], $0x40, s30, s17, $0xb8;
	[tilespmem:$0x12C60] =	vst v63  }
0x52: {  	_ =	swait.ge [sflag:s21], $0x2000  }
0x53: {  	[sflag:s21] =	ssyncset.done $0x0  }
0x54: {  	s31 =	sadd.s32 $0x2880, s28;
	[sflag:s21] =	ssyncadd.s32 $0xFFFFE000  }
0x55: {  	[spmem:s3] =	stream.indirect.scatter.add.f32 [tilespmem:s19], [sflag:$0x3], $0x40, s31, s17, $0xb8;
	[tilespmem:$0x12C60] =	vst v63  }
0x56: {  	_ =	swait.ge [sflag:s12], $0x2000  }
0x57: {  	[sflag:s12] =	ssyncset.done $0x0  }
0x58: {  	[sflag:s12] =	ssyncadd.s32 $0xFFFFE000  }
0x59: {  	[tilespmem:s19], [sflag:$0x2] =	stream.indirect.gather [hbm4b:s0+s17], $0x40, s22, s17, $0xb8;
	[tilespmem:$0x12C60] =	vst v63  }
0x5a: {  	_ =	swait.ge [sflag:s20], $0x2000  }
0x5b: {  	[sflag:s20] =	ssyncset.done $0x0  }
0x5c: {  	[sflag:s20] =	ssyncadd.s32 $0xFFFFE000  }
0x5d: {  	[spmem:s3] =	stream.indirect.scatter.add.f32 [tilespmem:s18], [sflag:$0x3], $0x40, s23, s17, $0xb8;
	[tilespmem:$0x12C60] =	vst v63  }
0x5e: {  	_ =	swait.ge [sflag:s12], $0x2000  }
0x5f: {  	[sflag:s12] =	ssyncset.done $0x0  }
0x60: {  	[sflag:s12] =	ssyncadd.s32 $0xFFFFE000  }
0x61: {  	_ =	swait.ge [sflag:s21], $0x2000  }
0x62: {  	[sflag:s21] =	ssyncset.done $0x0  }
0x63: {  	[sflag:s21] =	ssyncadd.s32 $0xFFFFE000  }
0x64: {  	[spmem:s3] =	stream.indirect.scatter.add.f32 [tilespmem:s19], [sflag:$0x3], $0x40, s24, s17, $0xb8;
	[tilespmem:$0x12C60] =	vst v63  }
0x65: {  	_ =	swait.ge [sflag:s12], $0x2000  }
0x66: {  	[sflag:s12] =	ssyncset.done $0x0  }
0x67: {  	[sflag:s12] =	ssyncadd.s32 $0xFFFFE000  }
0x68: {  	s1 =	simm.s32 @p0 $0x1FC3;
	[bflag:$0x0] =	sbarrier.arrive $0xFFFF  }
0x69: {  	[hbm:s10], [sflag:s1] =	dma.local @p0 [spmem:s14], $0x1040  }
0x6a: {  	s1 =	simm.s32 @p0 $0x3  }
0x6b: {  	s26 =	sadd.s32 $0x1, s26;
	_ =	swait.ge @p0 [sflag:s1], $0x1040  }
0x6c: {  	p1 =	sne.s32 s26, s11;
	[sflag:s1] =	ssyncset.done @p0 $0x0  }
.Ltmp1:
0x6d: {  	[sflag:s1] =	ssyncadd.s32 @p0 $0xFFFFEFC0;
	s1 =	simm.s32 @!p0 $0x3;
	(pc) =	sbr.rel @p1 .LBB2_1-.Ltmp1, $4  }
0x6e: {  	[hbm:s9], [sflag:s15] =	dma.local @!p0 [spmem:s25], $0x13C0  }
0x6f: {  	_ =	swait.ge @!p0 [sflag:s1], $0x13C0  }
0x70: {  	[sflag:s1] =	ssyncset.done @!p0 $0x0  }
0x71: {  	[sflag:s1] =	ssyncadd.s32 @!p0 $0xFFFFEC40  }
0x72: {  	_ =	sfence.sel $0x180000  }
0x73: {  	[bflag:$0x0] =	sbarrier.arrive $0xFFFF  }
0x74: {  	_ =	strace $0x9000004D  }
0x75: {  	[bflag:$0x2] =	sbarrier.arrive $0xFFFF  }
0x76: {  	p0 =	sne.s32 s2, $0x0;
	s0 =	rddreg [dreg:$0x3]  }
0x77: {  	s0 =	sadd.s32 @!p0 $0x100000, s0  }
0x78: {  	[sflag:s0] =	ssyncadd.tile.s32 @!p0 $0x1;
	_ =	shalt  }
.Lfunc_end2:
_tile_overlayer_lowered:
.L_overlay_start_2:
0x79: {  	(tag) =	ssettag $0x2  }
0x7a: {  	s0 =	rddreg [dreg:$0x0];
	s2 =	stileid.u32  }
0x7b: {  	s1 =	rddreg [dreg:$0x1];
	p0 =	sne.s32 s2, $0x0  }
0x7c: {  	s3 =	rddreg [dreg:$0x2];
	[bflag:$0x3] =	sbarrier.arrive $0xFFFF;
	s2 =	simm.s32 @!p0 $0x1C03  }
0x7d: {  	[timem:s3], [sflag:s2] =	dma.local @!p0 [hbm:s0], s1  }
0x7e: {  	s0 =	simm.s32 @!p0 $0x3  }
0x7f: {  	_ =	swait.ge @!p0 [sflag:s0], s1  }
0x80: {  	s1 =	ssub.s32 @!p0 $0x0, s1;
	[sflag:s0] =	ssyncset.done @!p0 $0x0  }
0x81: {  	[sflag:s0] =	ssyncadd.s32 @!p0 s1  }
0x82: {  	[bflag:$0x3] =	sbarrier.arrive $0xFFFF  }
0x83: {  	_ =	shalt  }

// kernel: kernel.8.cloned.1.call-start
scs
__scs_entry_jumppad:
0x0: {  	(pc) =	sbr.rel $0x88, $3  }
0x1: {  	(tag) =	ssettag $0x0;
	lr =	simm.s32 $0x1  }
0x2: {  	[smem:$0x3F9B] =	sst lr;
	_ =	strace $0xD0000000  }
0x3: {  	_ = 	snop  }
0x4: {  	_ = 	snop  }
0x5: {  	_ = 	snop  }
0x6: {  	_ = 	snop  }
0x7: {  	_ = 	snop  }
__scs_overlays_trampoline_lowered:
0x8: {  	[smem:$0x3FAA] =	sst s0  }
0x9: {  	[smem:$0x3FAB] =	sst s1  }
0xa: {  	[smem:$0x3FAC] =	sst s2  }
0xb: {  	[smem:$0x3FAD] =	sst s3  }
0xc: {  	[smem:$0x3FAE] =	sst s4  }
0xd: {  	[smem:$0x3FAF] =	sst s5  }
0xe: {  	[smem:$0x3FB0] =	sst s6  }
0xf: {  	[smem:$0x3FB1] =	sst s7  }
0x10: {  	[smem:$0x3FB2] =	sst s8  }
0x11: {  	[smem:$0x3FB3] =	sst s9;
	s0 =	simm.s32 @!p0 $0x0  }
0x12: {  	s1 =	sld [smem:$0x3F99];
	s0 =	simm.s32 @p0 $0x1  }
0x13: {  	[smem:$0x3FB4] =	sst s0;
	s0 =	simm.s32 @!p1 $0x0  }
0x14: {  	s2 =	sld [smem:$0x3F98];
	s0 =	simm.s32 @p1 $0x1  }
0x15: {  	[smem:$0x3FB5] =	sst s0;
	s0 =	simm.s32 @!p2 $0x0  }
0x16: {  	s3 =	sld [smem:$0x3FDB];
	s0 =	simm.s32 @p2 $0x1  }
0x17: {  	s4 =	simm.s32 $0x1BF5;
	[smem:$0x3FB7] =	sst s0  }
0x18: {  	s0 =	sld [smem:$0x3F9A];
	_ =	swait.ge [sflag:s4], $0x0  }
0x19: {  	s7 =	sld [smem:$0x3F9B]  }
0x1a: {  	s8 =	sadd.s32 $0xFFFFE003, lr  }
0x1b: {  	s9 =	sadd.s32 $0xFFFFFEF7, lr;
	s5 =	simm.s32 $0xFFFFFFFF;
	p2 =	slt.u32 s8, $0xFFFFF086  }
0x1c: {  	p1 =	slt.u32 s9, $0xF7A;
	s5 =	simm.s32 @!p2 $0x0  }
0x1d: {  	s5 =	simm.s32 @p1 $0x1;
	p0 =	seq.s32 s7, s2  }
0x1e: {  	s7 =	smul.u32 @!p0 $0xF7A, s2;
	p2 =	seq.s32 @!p0 s5, $0x0  }
0x1f: {  	s9 =	smul.u32 $0xF7A, s1;
	s8 =	simm.s32 @!p0 $0x1BF5;
	p2 =	por !p2, p0  }
0x20: {  	[sflag:s8] =	ssyncset.s32 @!p0 $0xFFFFF086;
	s6 =	sadd.s32 @!p0 s3, s7;
	s7 =	simm.s32 @!p0 $0x108  }
0x21: {  	s3 =	sadd.s32 s3, s9;
	s6 =	sadd.s32 @!p0 $0x88, s6;
	s7 =	simm.s32 @p2 $0x1082  }
0x22: {  	[simem:s7], [sflag:s8] =	dma.local @!p0 [hbm:s6], $0xF7A  }
0x23: {  	s9 =	sor.u32 $0xD0000000, s2;
	s6 =	simm.s32 $0x108;
	_ =	swait.ge @!p0 [sflag:s8], $0x0  }
0x24: {  	s3 =	sadd.s32 $0x88, s3;
	s6 =	simm.s32 @!p1 $0x1082;
	[sflag:s4] =	ssyncset.s32 $0xFFFFF086  }
0x25: {  	[simem:s6], [sflag:s4] =	dma.local [hbm:s3], $0xF7A  }
0x26: {  	[smem:$0x3F9B] =	sst s1;
	(tag) =	ssettag s2;
	_ =	strace s9  }
0x27: {  	s1 =	sld [smem:$0x3FAB]  }
0x28: {  	s2 =	sld [smem:$0x3FAC]  }
0x29: {  	s4 =	sld [smem:$0x3FAE]  }
0x2a: {  	p0 =	seq.s32 s5, $0x0;
	s5 =	sld [smem:$0x3FAF]  }
0x2b: {  	s6 =	sld [smem:$0x3FB0]  }
0x2c: {  	s7 =	sld [smem:$0x3FB1]  }
0x2d: {  	s3 =	simm.s32 $0x108;
	s8 =	sld [smem:$0x3FB2]  }
0x2e: {  	s3 =	simm.s32 @!p0 $0x1082;
	s9 =	sld [smem:$0x3FB3]  }
0x2f: {  	lr =	sadd.s32 s0, s3;
	s0 =	sld [smem:$0x3FAA]  }
0x30: {  	s3 =	sld [smem:$0x3FAD]  }
0x31: {  	[smem:$0x3FB6] =	sst s10  }
0x32: {  	s10 =	sld [smem:$0x3FB4];
	_ =	sdelay $0x3  }
0x33: {  	p0 =	seq.s32 s10, $0x1;
	s10 =	sld [smem:$0x3FB6];
	_ =	sdelay $0x3  }
0x34: {  	[smem:$0x3FB6] =	sst s10  }
0x35: {  	s10 =	sld [smem:$0x3FB5];
	_ =	sdelay $0x3  }
0x36: {  	p1 =	seq.s32 s10, $0x1;
	s10 =	sld [smem:$0x3FB6];
	_ =	sdelay $0x3  }
0x37: {  	[smem:$0x3FB6] =	sst s10  }
0x38: {  	s10 =	sld [smem:$0x3FB7]  }
0x39: {  	_ = 	snop;
	(pc) =	sbr.ind lr, $3  }
0x3a: {  	_ = 	snop  }
0x3b: {  	_ = 	snop  }
0x3c: {  	p2 =	seq.s32 s10, $0x1;
	s10 =	sld [smem:$0x3FB6]  }
0x3d: {  	_ =	shalt  }
0x3e: {  	_ =	shalt  }
0x3f: {  	_ =	shalt  }
0x40: {  	_ =	shalt  }
0x41: {  	_ =	shalt  }
0x42: {  	_ =	shalt  }
0x43: {  	_ =	shalt  }
0x44: {  	_ =	shalt  }
0x45: {  	_ =	shalt  }
0x46: {  	_ =	shalt  }
0x47: {  	_ =	shalt  }
0x48: {  	_ =	shalt  }
0x49: {  	_ =	shalt  }
0x4a: {  	_ =	shalt  }
0x4b: {  	_ =	shalt  }
0x4c: {  	_ =	shalt  }
0x4d: {  	_ =	shalt  }
0x4e: {  	_ =	shalt  }
0x4f: {  	_ =	shalt  }
0x50: {  	_ =	shalt  }
0x51: {  	_ =	shalt  }
0x52: {  	_ =	shalt  }
0x53: {  	_ =	shalt  }
0x54: {  	_ =	shalt  }
0x55: {  	_ =	shalt  }
0x56: {  	_ =	shalt  }
0x57: {  	_ =	shalt  }
0x58: {  	_ =	shalt  }
0x59: {  	_ =	shalt  }
0x5a: {  	_ =	shalt  }
0x5b: {  	_ =	shalt  }
0x5c: {  	_ =	shalt  }
0x5d: {  	_ =	shalt  }
0x5e: {  	_ =	shalt  }
0x5f: {  	_ =	shalt  }
0x60: {  	_ =	shalt  }
0x61: {  	_ =	shalt  }
0x62: {  	_ =	shalt  }
0x63: {  	_ =	shalt  }
0x64: {  	_ =	shalt  }
0x65: {  	_ =	shalt  }
0x66: {  	_ =	shalt  }
0x67: {  	_ =	shalt  }
0x68: {  	_ =	shalt  }
0x69: {  	_ =	shalt  }
0x6a: {  	_ =	shalt  }
0x6b: {  	_ =	shalt  }
0x6c: {  	_ =	shalt  }
0x6d: {  	_ =	shalt  }
0x6e: {  	_ =	shalt  }
0x6f: {  	_ =	shalt  }
0x70: {  	_ =	shalt  }
0x71: {  	_ =	shalt  }
0x72: {  	_ =	shalt  }
0x73: {  	_ =	shalt  }
0x74: {  	_ =	shalt  }
0x75: {  	_ =	shalt  }
0x76: {  	_ =	shalt  }
0x77: {  	_ =	shalt  }
0x78: {  	_ =	shalt  }
0x79: {  	_ =	shalt  }
0x7a: {  	_ =	shalt  }
0x7b: {  	_ =	shalt  }
0x7c: {  	_ =	shalt  }
0x7d: {  	_ =	shalt  }
0x7e: {  	_ =	shalt  }
0x7f: {  	_ =	shalt  }
0x80: {  	_ =	shalt  }
0x81: {  	_ =	shalt  }
0x82: {  	_ =	shalt  }
0x83: {  	_ =	shalt  }
0x84: {  	_ =	shalt  }
0x85: {  	_ =	shalt  }
0x86: {  	_ =	shalt  }
0x87: {  	_ =	shalt  }
.Lfunc_end0:
.L_simem_size_0:
called_computation_lowered:
.L_overlay_start_0:
0x88: {  	s2 =	sld [smem:$0x3FD9]  }
0x89: {  	s3 =	sld [smem:$0x3FFE];
	_ =	sdelay $0x1  }
0x8a: {  	s1 =	srdreg.scid  }
0x8b: {  	s0 =	sand.u32 $0x1, s1  }
0x8c: {  	s17 =	sshll.u32 s0, $0xA;
	s2 =	sadd.s32 s3, s2  }
0x8d: {  	s2 =	sadd.s32 s2, s17  }
0x8e: {  	[smem:$0x3FC2] =	sst s2  }
0x8f: {  	_ = 	snop  }
0x90: {  	s2 =	sld [smem:$0x3FD0];
	(tm) =	ssettm $0x1  }
0x91: {  	s18 =	sld [smem:$0x3FFB];
	_ =	sdelay $0x3  }
0x92: {  	_ =	strace s18  }
0x93: {  	s3 =	sld [smem:$0x3FFC];
	_ =	sdelay $0x3  }
0x94: {  	_ =	strace s3  }
0x95: {  	s3 =	sld [smem:$0x3FFD];
	_ =	sdelay $0x3  }
0x96: {  	_ =	strace s3  }
0x97: {  	_ =	strace $0x8FFFFFFF  }
0x98: {  	s19 =	sld [smem:$0x3FDB];
	_ =	sdelay $0x1  }
0x99: {  	s4 =	simm.s32 $_scs_section_size  }
0x9a: {  	s5 =	simm.s32 $_size__tile_overlayer_lowered;
	s6 =	simm.s32 $_tile_overlayer_lowered  }
0x9b: {  	s22 =	simm.s32 $0x1BFF;
	s21 =	sshll.u32 s6, $0x1;
	s3 =	sadd.s32 s4, s19  }
0x9c: {  	s7 =	simm.s32 $0x0;
	s20 =	sshll.u32 s5, $0x1;
	s5 =	sadd.s32 s21, s3  }
0x9d: {  	[timem:s7], [sflag:s22] =	dma.local [hbm:s5], s20  }
0x9e: {  	_ =	swait.ge [sflag:s22], s20  }
0x9f: {  	s4 =	ssub.s32 $0x0, s20;
	[sflag:s22] =	ssyncset.done $0x0  }
0xa0: {  	[sflag:s22] =	ssyncadd.s32 s4;
	_ =	sdelay $0x1  }
0xa1: {  	s23 =	simm.s32 $0x1B8B  }
0xa2: {  	_ =	swait.ge [sflag:s23], $0x1  }
0xa3: {  	[sflag:s23] =	ssyncset.done $0x0  }
0xa4: {  	s25 =	simm.s32 $0x1B8E;
	s24 =	sld [smem:$0x3FFE];
	[sflag:s23] =	ssyncadd.s32 $0xFFFFFFFF  }
0xa5: {  	s26 =	simm.s32 $execute0_lowered;
	[smem:$0x3FD2] =	sst s25  }
0xa6: {  	s5 =	sshll.u32 s26, $0x1;
	_ =	strace $0x80000046;
	[dreg:$0x1] =	wrdreg $0xFFFFFFFF  }
0xa7: {  	s28 =	simm.s32 $_size_execute0_lowered;
	s3 =	sadd.s32 s3, s5;
	[dreg:$0x0] =	wrdreg $0x0  }
0xa8: {  	s5 =	sshll.u32 s28, $0x1;
	[dreg:$0x2] =	wrdreg s3  }
0xa9: {  	[dreg:$0x3] =	wrdreg s5  }
0xaa: {  	[dreg:$0x4] =	wrdreg $0xC0  }
0xab: {  	_ =	task [dreg:s7], $0x5FFFF  }
0xac: {  	[dreg:$0x1] =	wrdreg $0xFFFFFFFF  }
0xad: {  	[dreg:$0x0] =	wrdreg $0x60  }
0xae: {  	[dreg:$0x2] =	wrdreg s24  }
0xaf: {  	[dreg:$0x3] =	wrdreg s2  }
0xb0: {  	[dreg:$0x4] =	wrdreg $0x9  }
0xb1: {  	_ =	task.clear_ibuf [dreg:s7], $0x5FFFF;
	_ =	strace $0x90000046  }
0xb2: {  	s29 =	simm.s32 $0x9;
	_ =	strace $0x80000048  }
0xb3: {  	_ =	swait.ge [sflag:s29], $0x1  }
0xb4: {  	[sflag:s29] =	ssyncadd.s32 $0xFFFFFFFF  }
0xb5: {  	_ =	strace $0x90000048  }
0xb6: {  	_ =	sfence  }
0xb7: {  	s30 =	sld [smem:$0x0];
	_ =	sdelay $0x2  }
0xb8: {  	s31 =	sshll.u32 s1, $0xD;
	s1 =	sshrl.u32 s1, $0x2  }
0xb9: {  	s3 =	sand.u32 $0x4000, s31;
	s1 =	sadd.s32 s1, s30  }
0xba: {  	s0 =	sor.u32 s3, s0;
	s1 =	sshll.u32 s1, $0x11  }
0xbb: {  	s0 =	sor.u32 s1, s0  }
0xbc: {  	s0 =	sadd.s32 $0x8F2B, s0  }
0xbd: {  	[sflag:s0] =	ssyncadd.remote.s32 $0x1  }
0xbe: {  	_ =	sfence.sel $0xFFFF  }
0xbf: {  	[dreg:$0x0] =	wrdreg $0xFFFFFFFF;
	(pc) =	sbr.abs _section_cstart, $3  }
0xc0: {  	[dreg:$0x1] =	wrdreg $0xFFFFFFFF  }
0xc1: {  	_ =	task.clear_ibuf [dreg:s7], $0x2FFFF;
	_ =	strace $0x9FFFFFFF  }
0xc2: {  	(tm) =	ssettm $0x7FFFFFFF  }
0xc3: {  	_ =	shalt  }
tec
execute0_lowered:
.L_overlay_start_1:
0x0: {  	(tag) =	ssettag $0x1  }
0x1: {  	s0 =	srdreg.scid  }
0x2: {  	s4 =	rddreg [dreg:$0x0];
	s3 =	sand.u32 $0x1, s0  }
0x3: {  	s5 =	rddreg [dreg:$0x1];
	s0 =	stileid.u32;
	s1 =	sshll.u32 s3, $0x4  }
0x4: {  	s2 =	simm.s32 $0x0;
	s9 =	simm.s32 $0x400;
	s6 =	sor.u32 s0, s1  }
0x5: {  	s10 =	simm.s32 $0x0;
	[smem:$0x7FF] =	sst s2;
	s7 =	sshrl.u32 s6, $0x3  }
0x6: {  	s8 =	sshll.u32 s0, $0x7;
	s3 =	ssub.s32 $0x2, s3;
	s7 =	smul.u32 $0x13C00, s7  }
0x7: {  	s1 =	rddreg [dreg:$0x2];
	s8 =	sand.u32 $0x380, s8;
	s6 =	smul.u32 $0x500, s6  }
0x8: {  	_ =	strace $0x80000047;
	s31 =	sshrl.u32 s3, $0x1;
	s7 =	sor.u32 s8, s7  }
0x9: {  	s4 =	sadd.s32 s6, s4;
	s6 =	ssub.s32 s3, s31;
	s7 =	sshrl.u32 s7, $0x3  }
0xa: {  	s3 =	sadd.s32 $0x1200, s4;
	s8 =	simm.s32 $0x80;
	s4 =	sadd.s32 s5, s7  }
0xb: {  	v0 =	vimm.f32 $0.0e+00;
	v1 =	vimm.f32 $1.000000000e+00;
	s5 =	smax.u32 s6, $0x1;
	s6 =	simm.s32 $0x1;
	s7 =	simm.s32 $0x2800  }
.LBB2_1:
0xc: {  	[tilespmem:s2], [sflag:$0x1] =	stream.linear.gather [hbm4b:s3+s2], $0x2800, $0x38;
	[tilespmem:$0x4F80] =	vst v63  }
0xd: {  	_ =	swait.ge [sflag:s6], $0x2800  }
0xe: {  	[sflag:s6] =	ssyncset.done $0x0  }
0xf: {  	s11 =	simm.s32 $0x0;
	[sflag:s6] =	ssyncadd.s32 $0xFFFFD800  }
.LBB2_2:
0x10: {  	p0 =	sne.s32 s11, $0x9DC0  }
.Ltmp0:
0x11: {  	_ = 	snop;
	(pc) =	sbr.rel @p0 .LBB2_2-.Ltmp0, $3  }
0x12: {  	_ =	sdelay $0x1  }
0x13: {  	s12 =	sshra.s32 s11, $0x2  }
0x14: {  	s11 =	sadd.s32 $0x40, s11;
	[tilespmem:s12+$0x2800] =	vst v0  }
0x15: {  	s12 =	simm.s32 $0x0;
	s11 =	simm.s32 $0x40  }
.LBB2_4:
0x16: {  	p0 =	sne.s32 s11, $0x9FC0;
	v2 =	vld [tilespmem:s12+$0x0];
	_ =	sdelay $0x3  }
.Ltmp1:
0x17: {  	(pc) =	sbr.rel @p0 .LBB2_4-.Ltmp1, $2  }
0x18: {  	_ =	sdelay $0x2  }
0x19: {  	s12 =	sshra.s32 s11, $0x2;
	s11 =	sadd.s32 $0x40, s11;
	[tilespmem:v2+s7+$0x0] =	vst.idx.add.f32.msk $0xffff, v1  }
0x1a: {  	v2 =	vld [tilespmem:s12+$0x0];
	_ =	sdelay $0x5  }
0x1b: {  	s10 =	sadd.s32 $0x1, s10  }
0x1c: {  	p0 =	sne.s32 s10, s5  }
.Ltmp2:
0x1d: {  	[tilespmem:v2+s7+$0x0] =	vst.idx.add.f32.msk $0xffff, v1;
	(pc) =	sbr.rel @p0 .LBB2_1-.Ltmp2, $4  }
0x1e: {  	[hbm4b:s4+s8] =	stream.strided.scatter [tilespmem:s7], [sflag:$0x1], $0x2780, s9, s8, $0x38;
	[tilespmem:$0x4F80] =	vst v63  }
0x1f: {  	_ =	swait.ge [sflag:s6], $0x2780  }
0x20: {  	[sflag:s6] =	ssyncset.done $0x0  }
0x21: {  	[sflag:s6] =	ssyncadd.s32 $0xFFFFD880  }
0x22: {  	_ =	sfence.sel $0x180000  }
0x23: {  	[bflag:$0x0] =	sbarrier.arrive $0xFFFF  }
0x24: {  	p0 =	sne.s32 s0, $0x0;
	_ =	strace $0x90000047  }
0x25: {  	s0 =	sadd.s32 @!p0 $0x100000, s1;
	[bflag:$0x2] =	sbarrier.arrive $0xFFFF  }
0x26: {  	[sflag:s0] =	ssyncadd.tile.s32 @!p0 $0x1;
	_ =	shalt  }
.Lfunc_end2:
_tile_overlayer_lowered:
.L_overlay_start_2:
0x27: {  	(tag) =	ssettag $0x2  }
0x28: {  	s0 =	rddreg [dreg:$0x0];
	s2 =	stileid.u32  }
0x29: {  	s1 =	rddreg [dreg:$0x1];
	p0 =	sne.s32 s2, $0x0  }
0x2a: {  	s3 =	rddreg [dreg:$0x2];
	[bflag:$0x3] =	sbarrier.arrive $0xFFFF;
	s2 =	simm.s32 @!p0 $0x1C01  }
0x2b: {  	[timem:s3], [sflag:s2] =	dma.local @!p0 [hbm:s0], s1  }
0x2c: {  	s0 =	simm.s32 @!p0 $0x1  }
0x2d: {  	_ =	swait.ge @!p0 [sflag:s0], s1  }
0x2e: {  	s1 =	ssub.s32 @!p0 $0x0, s1;
	[sflag:s0] =	ssyncset.done @!p0 $0x0  }
0x2f: {  	[sflag:s0] =	ssyncadd.s32 @!p0 s1  }
0x30: {  	[bflag:$0x3] =	sbarrier.arrive $0xFFFF  }
0x31: {  	_ =	shalt  }

</sc_bundles>
